<compile_context>
chip_gen: v7x
topology: tpu7x:2x2x1
jax: 0.10.2.dev20260603
libtpu: 0.0.44.dev20260713+nightly
codegen_flags: <defaults>
</compile_context>

<pallas_src>
import functools

import jax
import jax.numpy as jnp
from jax import lax
from jax.experimental import pallas as pl
from jax.experimental.pallas import tpu as pltpu
from jax.experimental.pallas import tpu_sc as plsc

N = 10000
D = 128
C = 64
E = 320000

NS = 16
EC = 128
CPT = 160
EPAD = NS * CPT * EC
K = 4
NB = CPT // K
NSUPER = NB // 2
BE = K * EC

ZR = 624
TAIL = N - NS * ZR

_MB = 1000
_GRID = N // _MB


def _mm_body(x_ref, w_ref, o1_ref, o2_ref):
    xw = jnp.dot(x_ref[...], w_ref[...], preferred_element_type=jnp.float32)
    o1_ref[...] = xw[:, :C]
    o2_ref[...] = xw[:, C:]


def _matmul2(features, w12):
    return pl.pallas_call(
        _mm_body,
        grid=(_GRID,),
        in_specs=[pl.BlockSpec((_MB, D), lambda i: (i, 0)),
                  pl.BlockSpec((D, 2 * C), lambda i: (0, 0))],
        out_specs=[pl.BlockSpec((_MB, C), lambda i: (i, 0)),
                   pl.BlockSpec((_MB, C), lambda i: (i, 0))],
        out_shape=[jax.ShapeDtypeStruct((N, C), jnp.float32),
                   jax.ShapeDtypeStruct((N, C), jnp.float32)],
    )(features, w12)


def _combine_body(x_ref, w_ref, a0_ref, a1_ref, b_ref, o_ref):
    o_ref[...] = (jnp.dot(x_ref[...], w_ref[...], preferred_element_type=jnp.float32)
                  + a0_ref[...] + a1_ref[...] + b_ref[0:1, :])


def _combine(features, lnw, acc, bias8):
    return pl.pallas_call(
        _combine_body,
        grid=(_GRID,),
        in_specs=[pl.BlockSpec((_MB, D), lambda i: (i, 0)),
                  pl.BlockSpec((D, C), lambda i: (0, 0)),
                  pl.BlockSpec((_MB, C), lambda i: (i, 0)),
                  pl.BlockSpec((_MB, C), lambda i: (i + _GRID, 0)),
                  pl.BlockSpec((8, C), lambda i: (0, 0))],
        out_specs=pl.BlockSpec((_MB, C), lambda i: (i, 0)),
        out_shape=jax.ShapeDtypeStruct((N, C), jnp.float32),
    )(features, lnw, acc, acc, bias8)


_sc_mesh = plsc.VectorSubcoreMesh(core_axis_name="c", subcore_axis_name="s")


@functools.partial(
    pl.kernel,
    out_type=jax.ShapeDtypeStruct((2 * N, C), jnp.float32),
    mesh=_sc_mesh,
    scratch_types=[
        pltpu.VMEM((2, K, EC), jnp.int32),
        pltpu.VMEM((2, K, EC), jnp.int32),
        pltpu.VMEM((2, K, EC), jnp.float32),
        pltpu.VMEM((BE, C), jnp.float32),
        pltpu.VMEM((BE, C), jnp.float32),
        pltpu.VMEM_SHARED((N, C), jnp.float32),
        pltpu.SemaphoreType.DMA,
        pltpu.SemaphoreType.DMA,
        pltpu.SemaphoreType.DMA,
    ],
    compiler_params=pltpu.CompilerParams(needs_layout_passes=False,
                                         use_tc_tiling_on_sc=False),
)
def _sc_edges(xw1, xw2, src1, dst1, w1, src2, dst2, w2,
              out, srcs_v, dsts_v, ws_v, rows_a, rows_b, acc,
              gsem_a, gsem_b, isem):
    c = lax.axis_index("c")
    s = lax.axis_index("s")

    zero16 = jnp.zeros((16,), jnp.float32)

    def _zrow(i, carry):
        for j in range(C // 16):
            rows_a[i, pl.ds(j * 16, 16)] = zero16
        return carry

    lax.fori_loop(0, EC, _zrow, 0)
    for k in range(ZR // EC):
        pltpu.sync_copy(rows_a.at[pl.ds(0, EC)], acc.at[pl.ds(s * ZR + k * EC, EC)])
    pltpu.sync_copy(rows_a.at[pl.ds(0, ZR % EC)],
                    acc.at[pl.ds(s * ZR + (ZR // EC) * EC, ZR % EC)])

    @pl.when(s == NS - 1)
    def _():
        pltpu.sync_copy(rows_a.at[pl.ds(0, TAIL)], acc.at[pl.ds(NS * ZR, TAIL)])

    plsc.subcore_barrier()

    def _process(xw, src_h, dst_h, w_h):
        def load_idx(r, half):
            row = s * CPT + r * K
            pltpu.async_copy(src_h.at[pl.ds(row, K)], srcs_v.at[half], isem)
            pltpu.async_copy(dst_h.at[pl.ds(row, K)], dsts_v.at[half], isem)
            pltpu.async_copy(w_h.at[pl.ds(row, K)], ws_v.at[half], isem)
            pltpu.make_async_copy(src_h.at[pl.ds(0, K)], srcs_v.at[half], isem).wait()
            pltpu.make_async_copy(dst_h.at[pl.ds(0, K)], dsts_v.at[half], isem).wait()
            pltpu.make_async_copy(w_h.at[pl.ds(0, K)], ws_v.at[half], isem).wait()

        def fire_gathers(half, buf, sem):
            for kk in range(K):
                pltpu.async_copy(xw.at[srcs_v.at[half, kk]],
                                 buf.at[pl.ds(kk * EC, EC)], sem)

        def drain_gathers(buf, sem):
            for kk in range(K):
                pltpu.make_async_copy(xw.at[pl.ds(0, EC)],
                                      buf.at[pl.ds(kk * EC, EC)], sem).wait()

        def mul_scatter(half, buf):
            @plsc.parallel_loop(0, BE, unroll=4)
            def _(e):
                kk = lax.shift_right_logical(e, 7)
                col = lax.bitwise_and(e, EC - 1)
                wv = plsc.load_gather(
                    ws_v, [jnp.full((16,), half, jnp.int32),
                           jnp.full((16,), kk, jnp.int32),
                           jnp.full((16,), col, jnp.int32)])
                for j in range(C // 16):
                    buf[e, pl.ds(j * 16, 16)] = buf[e, pl.ds(j * 16, 16)] * wv

            for kk in range(K):
                pltpu.sync_copy(buf.at[pl.ds(kk * EC, EC)],
                                acc.at[dsts_v.at[half, kk]], add=True)

        def _serial(r, carry):
            load_idx(r, 0)
            fire_gathers(0, rows_a, gsem_a)
            drain_gathers(rows_a, gsem_a)
            mul_scatter(0, rows_a)
            return carry

        lax.fori_loop(0, NB, _serial, 0)

    @pl.when(c == 0)
    def _():
        _process(xw1, src1, dst1, w1)

    @pl.when(c == 1)
    def _():
        _process(xw2, src2, dst2, w2)

    plsc.subcore_barrier()
    pltpu.sync_copy(acc.at[pl.ds(s * ZR, ZR)],
                    out.at[pl.ds(c * N + s * ZR, ZR)])

    @pl.when(s == NS - 1)
    def _():
        pltpu.sync_copy(acc.at[pl.ds(NS * ZR, TAIL)],
                        out.at[pl.ds(c * N + NS * ZR, TAIL)])


def _pad_chunks(a, fill):
    pad = jnp.full((EPAD - E,), fill, a.dtype)
    return jnp.concatenate([a, pad]).reshape(NS * CPT, EC)


def kernel(features, edge_index, edge_weight, edge_index2, edge_weight2,
           ln_W, ln_b, W1, b1, W2, b2, bn_gamma, bn_beta):
    scale = bn_gamma * lax.rsqrt(jnp.float32(1.0 + 1e-5))
    w12 = jnp.concatenate([W1 * scale[None, :], W2 * scale[None, :]], axis=1)
    lnw = ln_W * scale[None, :]
    bias8 = jnp.tile(((ln_b + b1 + b2) * scale + bn_beta)[None, :], (8, 1))

    src1 = _pad_chunks(edge_index[0], 0)
    dst1 = _pad_chunks(edge_index[1], 0)
    w1e = _pad_chunks(edge_weight, 0.0)
    src2 = _pad_chunks(edge_index2[0], 0)
    dst2 = _pad_chunks(edge_index2[1], 0)
    w2e = _pad_chunks(edge_weight2, 0.0)

    xw1, xw2 = _matmul2(features, w12)
    acc = _sc_edges(xw1, xw2, src1, dst1, w1e, src2, dst2, w2e)
    return _combine(features, lnw, acc, bias8)

# --- scband reference (transcript-rebuilt; emitter-appended) ---
"""Pipeline reference for scband-di-gcn-ib-1-bn-34926674051692 (READ-ONLY COPY).

The authoritative reference and input builder live on the scoring server;
editing this copy changes nothing except your own understanding.
"""

import jax, jax.numpy as jnp
import numpy as np

N = 10000
E = 320000
D = 128
C = 64

def setup_inputs(seed: int = 0) -> dict:
    key = jax.random.key(seed)
    ks = jax.random.split(key, 8)
    features = jax.random.normal(ks[0], (N, D), dtype=jnp.float32)
    edge_index = jax.random.randint(ks[1], (2, E), 0, N, dtype=jnp.int32)
    edge_weight = jax.random.uniform(ks[2], (E,), dtype=jnp.float32)
    edge_index2 = jax.random.randint(ks[3], (2, E), 0, N, dtype=jnp.int32)
    edge_weight2 = jax.random.uniform(ks[4], (E,), dtype=jnp.float32)
    ln_W = jax.random.normal(ks[5], (D, C), dtype=jnp.float32) * 0.05
    ln_b = jnp.zeros((C,), dtype=jnp.float32)
    W1 = jax.random.normal(ks[6], (D, C), dtype=jnp.float32) * 0.05
    b1 = jnp.zeros((C,), dtype=jnp.float32)
    W2 = jax.random.normal(ks[7], (D, C), dtype=jnp.float32) * 0.05
    b2 = jnp.zeros((C,), dtype=jnp.float32)
    bn_gamma = jnp.ones((C,), dtype=jnp.float32)
    bn_beta = jnp.zeros((C,), dtype=jnp.float32)
    return {"features": features, "edge_index": edge_index, "edge_weight": edge_weight,
            "edge_index2": edge_index2, "edge_weight2": edge_weight2,
            "ln_W": ln_W, "ln_b": ln_b, "W1": W1, "b1": b1, "W2": W2, "b2": b2,
            "bn_gamma": bn_gamma, "bn_beta": bn_beta}

def reference(features, edge_index, edge_weight, edge_index2, edge_weight2,
              ln_W, ln_b, W1, b1, W2, b2, bn_gamma, bn_beta):
    n = features.shape[0]
    # InceptionBlock: x0 = Linear(x); x1 = DIGCNConv(x, ei, ew); x2 = DIGCNConv(x, ei2, ew2)
    x0 = features @ ln_W + ln_b
    xw1 = features @ W1
    src, dst = edge_index[0], edge_index[1]
    msg1 = edge_weight[:, None] * jnp.take(xw1, src, axis=0)
    x1 = jax.ops.segment_sum(msg1, dst, num_segments=n) + b1
    xw2 = features @ W2
    src2, dst2 = edge_index2[0], edge_index2[1]
    msg2 = edge_weight2[:, None] * jnp.take(xw2, src2, axis=0)
    x2 = jax.ops.segment_sum(msg2, dst2, num_segments=n) + b2
    x = x0 + x1 + x2
    # BatchNorm1d in eval mode: running_mean=0, running_var=1 (fresh module), eps=1e-5
    eps = 1e-5
    x = (x - 0.0) / jnp.sqrt(1.0 + eps) * bn_gamma + bn_beta
    # dropout inactive in eval mode
    return x

if __name__ == "__main__":
    import jax
    _d = setup_inputs()
    print(jax.jit(kernel)(*tuple(_d.values())))

</pallas_src>

<mosaic_0001>
#map = affine_map<(d0, d1) -> (0, 0)>
module attributes {stable_mosaic.version = 14 : i64} {
  func.func @_sc_edges(%arg0: i32, %arg1: i32, %arg2: memref<10000x64xf32, #tpu.memory_space<hbm>>, %arg3: memref<10000x64xf32, #tpu.memory_space<hbm>>, %arg4: memref<2560x128xi32, #tpu.memory_space<hbm>>, %arg5: memref<2560x128xi32, #tpu.memory_space<hbm>>, %arg6: memref<2560x128xf32, #tpu.memory_space<hbm>>, %arg7: memref<2560x128xi32, #tpu.memory_space<hbm>>, %arg8: memref<2560x128xi32, #tpu.memory_space<hbm>>, %arg9: memref<2560x128xf32, #tpu.memory_space<hbm>>, %arg10: memref<20000x64xf32, #tpu.memory_space<hbm>>, %arg11: memref<2x4x128xi32, #tpu.memory_space<vmem>>, %arg12: memref<2x4x128xi32, #tpu.memory_space<vmem>>, %arg13: memref<2x4x128xf32, #tpu.memory_space<vmem>>, %arg14: memref<512x64xf32, #tpu.memory_space<vmem>>, %arg15: memref<512x64xf32, #tpu.memory_space<vmem>>, %arg16: memref<10000x64xf32, #tpu.memory_space<vmem_shared>>, %arg17: memref<!tpu.dma_semaphore, #tpu.memory_space<semaphore_mem>>, %arg18: memref<!tpu.dma_semaphore, #tpu.memory_space<semaphore_mem>>, %arg19: memref<!tpu.dma_semaphore, #tpu.memory_space<semaphore_mem>>) attributes {dimension_semantics = [#tpu.dimension_semantics<core_parallel>, #tpu.dimension_semantics<subcore_parallel>], iteration_bounds = array<i64: 2, 16>, scalar_prefetch = 0 : i64, scratch_operands = 9 : i64, tpu.core_type = #tpu.core_type<sc_vector_subcore>, window_params = [{transform_indices = #map}, {transform_indices = #map}, {transform_indices = #map}, {transform_indices = #map}, {transform_indices = #map}, {transform_indices = #map}, {transform_indices = #map}, {transform_indices = #map}, {transform_indices = #map}]} {
    %broadcast_in_dim3A = arith.constant 0.000000e+00 : f32
    %broadcast_in_dim3A_0 = vector.broadcast %broadcast_in_dim3A : f32 to vector<16xf32>
    %scan3A = arith.constant 0 : i32
    %scan3A_1 = arith.constant 0 : i32
    %scan3A_2 = arith.constant 128 : i32
    %scan3A_3 = arith.addi %scan3A_1, %scan3A_2 : i32
    %scan3A_4 = arith.constant 1 : i32
    scf.for %scan3A_49 = %scan3A_1 to %scan3A_3 step %scan3A_4  : i32 {
      %swap3A = arith.index_cast %scan3A_49 : i32 to index
      %swap3A_50 = arith.constant 0 : index
      %swap3A_51 = tpu.vector_load %arg14[%swap3A, %swap3A_50] {strides = array<i32>} : memref<512x64xf32, #tpu.memory_space<vmem>>, vector<16xf32>,
      tpu.vector_store %arg14[%swap3A, %swap3A_50], %broadcast_in_dim3A_0 {strides = array<i32>} : memref<512x64xf32, #tpu.memory_space<vmem>>, vector<16xf32>,
      %swap3A_52 = arith.index_cast %scan3A_49 : i32 to index
      %swap3A_53 = arith.constant 16 : index
      %swap3A_54 = tpu.vector_load %arg14[%swap3A_52, %swap3A_53] {strides = array<i32>} : memref<512x64xf32, #tpu.memory_space<vmem>>, vector<16xf32>,
      tpu.vector_store %arg14[%swap3A_52, %swap3A_53], %broadcast_in_dim3A_0 {strides = array<i32>} : memref<512x64xf32, #tpu.memory_space<vmem>>, vector<16xf32>,
      %swap3A_55 = arith.index_cast %scan3A_49 : i32 to index
      %swap3A_56 = arith.constant 32 : index
      %swap3A_57 = tpu.vector_load %arg14[%swap3A_55, %swap3A_56] {strides = array<i32>} : memref<512x64xf32, #tpu.memory_space<vmem>>, vector<16xf32>,
      tpu.vector_store %arg14[%swap3A_55, %swap3A_56], %broadcast_in_dim3A_0 {strides = array<i32>} : memref<512x64xf32, #tpu.memory_space<vmem>>, vector<16xf32>,
      %swap3A_58 = arith.index_cast %scan3A_49 : i32 to index
      %swap3A_59 = arith.constant 48 : index
      %swap3A_60 = tpu.vector_load %arg14[%swap3A_58, %swap3A_59] {strides = array<i32>} : memref<512x64xf32, #tpu.memory_space<vmem>>, vector<16xf32>,
      tpu.vector_store %arg14[%swap3A_58, %swap3A_59], %broadcast_in_dim3A_0 {strides = array<i32>} : memref<512x64xf32, #tpu.memory_space<vmem>>, vector<16xf32>,
    }
    %scan3A_5 = arith.constant 128 : i32
    %mul3A = arith.constant 624 : i32
    %mul3A_6 = arith.muli %arg1, %mul3A : i32
    %add3A = arith.constant 0 : i32
    %add3A_7 = arith.addi %mul3A_6, %add3A : i32
    "tpu.region"() ({
      %run_scoped3A = tpu.sem_alloc : memref<!tpu.dma_semaphore, #tpu.memory_space<semaphore_mem>>
      %dma_start3A = arith.constant 0 : i32
      %dma_start3A_49 = arith.constant 0 : i32
      %dma_start3A_50 = tpu.memref_slice %arg14[%dma_start3A, %dma_start3A_49] : memref<512x64xf32, #tpu.memory_space<vmem>> -> memref<128x64xf32, #tpu.memory_space<vmem>>
      %dma_start3A_51 = arith.constant 0 : i32
      %dma_start3A_52 = tpu.memref_slice %arg16[%add3A_7, %dma_start3A_51] : memref<10000x64xf32, #tpu.memory_space<vmem_shared>> -> memref<128x64xf32, #tpu.memory_space<vmem_shared>>
      %dma_start3A_53 = arith.constant 0 : i32
      %dma_start3A_54 = tpu.memref_slice %arg16[%add3A_7, %dma_start3A_53] : memref<10000x64xf32, #tpu.memory_space<vmem_shared>> -> memref<128x64xf32, #tpu.memory_space<vmem_shared>>
      %dma_start3A_55 = arith.constant 0 : i32
      %dma_start3A_56 = arith.constant 0 : i32
      %dma_start3A_57 = tpu.memref_slice %arg14[%dma_start3A_55, %dma_start3A_56] : memref<512x64xf32, #tpu.memory_space<vmem>> -> memref<128x64xf32, #tpu.memory_space<vmem>>
      tpu.enqueue_dma source(%dma_start3A_57 : memref<128x64xf32, #tpu.memory_space<vmem>>) target(%dma_start3A_54 : memref<128x64xf32, #tpu.memory_space<vmem_shared>>) target_semaphore(%run_scoped3A : memref<!tpu.dma_semaphore, #tpu.memory_space<semaphore_mem>>)
      %dma_wait3A = arith.constant 0 : i32
      %dma_wait3A_58 = arith.constant 0 : i32
      %dma_wait3A_59 = tpu.memref_slice %arg14[%dma_wait3A, %dma_wait3A_58] : memref<512x64xf32, #tpu.memory_space<vmem>> -> memref<128x64xf32, #tpu.memory_space<vmem>>
      %dma_wait3A_60 = arith.constant 0 : i32
      %dma_wait3A_61 = tpu.memref_slice %arg16[%add3A_7, %dma_wait3A_60] : memref<10000x64xf32, #tpu.memory_space<vmem_shared>> -> memref<128x64xf32, #tpu.memory_space<vmem_shared>>
      %dma_wait3A_62 = arith.constant 0 : i32
      %dma_wait3A_63 = tpu.memref_slice %arg16[%add3A_7, %dma_wait3A_62] : memref<10000x64xf32, #tpu.memory_space<vmem_shared>> -> memref<128x64xf32, #tpu.memory_space<vmem_shared>>
      %dma_wait3A_64 = arith.constant 0 : i32
      %dma_wait3A_65 = arith.constant 0 : i32
      %dma_wait3A_66 = tpu.memref_slice %arg14[%dma_wait3A_64, %dma_wait3A_65] : memref<512x64xf32, #tpu.memory_space<vmem>> -> memref<128x64xf32, #tpu.memory_space<vmem>>
      tpu.wait_dma2 semaphore(%run_scoped3A : memref<!tpu.dma_semaphore, #tpu.memory_space<semaphore_mem>>) src(%dma_wait3A_66 : memref<128x64xf32, #tpu.memory_space<vmem>>) dst(%dma_wait3A_63 : memref<128x64xf32, #tpu.memory_space<vmem_shared>>)
      tpu.yield
    }) : () -> ()
    %mul3A_8 = arith.constant 624 : i32
    %mul3A_9 = arith.muli %arg1, %mul3A_8 : i32
    %add3A_10 = arith.constant 128 : i32
    %add3A_11 = arith.addi %mul3A_9, %add3A_10 : i32
    "tpu.region"() ({
      %run_scoped3A = tpu.sem_alloc : memref<!tpu.dma_semaphore, #tpu.memory_space<semaphore_mem>>
      %dma_start3A = arith.constant 0 : i32
      %dma_start3A_49 = arith.constant 0 : i32
      %dma_start3A_50 = tpu.memref_slice %arg14[%dma_start3A, %dma_start3A_49] : memref<512x64xf32, #tpu.memory_space<vmem>> -> memref<128x64xf32, #tpu.memory_space<vmem>>
      %dma_start3A_51 = arith.constant 0 : i32
      %dma_start3A_52 = tpu.memref_slice %arg16[%add3A_11, %dma_start3A_51] : memref<10000x64xf32, #tpu.memory_space<vmem_shared>> -> memref<128x64xf32, #tpu.memory_space<vmem_shared>>
      %dma_start3A_53 = arith.constant 0 : i32
      %dma_start3A_54 = tpu.memref_slice %arg16[%add3A_11, %dma_start3A_53] : memref<10000x64xf32, #tpu.memory_space<vmem_shared>> -> memref<128x64xf32, #tpu.memory_space<vmem_shared>>
      %dma_start3A_55 = arith.constant 0 : i32
      %dma_start3A_56 = arith.constant 0 : i32
      %dma_start3A_57 = tpu.memref_slice %arg14[%dma_start3A_55, %dma_start3A_56] : memref<512x64xf32, #tpu.memory_space<vmem>> -> memref<128x64xf32, #tpu.memory_space<vmem>>
      tpu.enqueue_dma source(%dma_start3A_57 : memref<128x64xf32, #tpu.memory_space<vmem>>) target(%dma_start3A_54 : memref<128x64xf32, #tpu.memory_space<vmem_shared>>) target_semaphore(%run_scoped3A : memref<!tpu.dma_semaphore, #tpu.memory_space<semaphore_mem>>)
      %dma_wait3A = arith.constant 0 : i32
      %dma_wait3A_58 = arith.constant 0 : i32
      %dma_wait3A_59 = tpu.memref_slice %arg14[%dma_wait3A, %dma_wait3A_58] : memref<512x64xf32, #tpu.memory_space<vmem>> -> memref<128x64xf32, #tpu.memory_space<vmem>>
      %dma_wait3A_60 = arith.constant 0 : i32
      %dma_wait3A_61 = tpu.memref_slice %arg16[%add3A_11, %dma_wait3A_60] : memref<10000x64xf32, #tpu.memory_space<vmem_shared>> -> memref<128x64xf32, #tpu.memory_space<vmem_shared>>
      %dma_wait3A_62 = arith.constant 0 : i32
      %dma_wait3A_63 = tpu.memref_slice %arg16[%add3A_11, %dma_wait3A_62] : memref<10000x64xf32, #tpu.memory_space<vmem_shared>> -> memref<128x64xf32, #tpu.memory_space<vmem_shared>>
      %dma_wait3A_64 = arith.constant 0 : i32
      %dma_wait3A_65 = arith.constant 0 : i32
      %dma_wait3A_66 = tpu.memref_slice %arg14[%dma_wait3A_64, %dma_wait3A_65] : memref<512x64xf32, #tpu.memory_space<vmem>> -> memref<128x64xf32, #tpu.memory_space<vmem>>
      tpu.wait_dma2 semaphore(%run_scoped3A : memref<!tpu.dma_semaphore, #tpu.memory_space<semaphore_mem>>) src(%dma_wait3A_66 : memref<128x64xf32, #tpu.memory_space<vmem>>) dst(%dma_wait3A_63 : memref<128x64xf32, #tpu.memory_space<vmem_shared>>)
      tpu.yield
    }) : () -> ()
    %mul3A_12 = arith.constant 624 : i32
    %mul3A_13 = arith.muli %arg1, %mul3A_12 : i32
    %add3A_14 = arith.constant 256 : i32
    %add3A_15 = arith.addi %mul3A_13, %add3A_14 : i32
    "tpu.region"() ({
      %run_scoped3A = tpu.sem_alloc : memref<!tpu.dma_semaphore, #tpu.memory_space<semaphore_mem>>
      %dma_start3A = arith.constant 0 : i32
      %dma_start3A_49 = arith.constant 0 : i32
      %dma_start3A_50 = tpu.memref_slice %arg14[%dma_start3A, %dma_start3A_49] : memref<512x64xf32, #tpu.memory_space<vmem>> -> memref<128x64xf32, #tpu.memory_space<vmem>>
      %dma_start3A_51 = arith.constant 0 : i32
      %dma_start3A_52 = tpu.memref_slice %arg16[%add3A_15, %dma_start3A_51] : memref<10000x64xf32, #tpu.memory_space<vmem_shared>> -> memref<128x64xf32, #tpu.memory_space<vmem_shared>>
      %dma_start3A_53 = arith.constant 0 : i32
      %dma_start3A_54 = tpu.memref_slice %arg16[%add3A_15, %dma_start3A_53] : memref<10000x64xf32, #tpu.memory_space<vmem_shared>> -> memref<128x64xf32, #tpu.memory_space<vmem_shared>>
      %dma_start3A_55 = arith.constant 0 : i32
      %dma_start3A_56 = arith.constant 0 : i32
      %dma_start3A_57 = tpu.memref_slice %arg14[%dma_start3A_55, %dma_start3A_56] : memref<512x64xf32, #tpu.memory_space<vmem>> -> memref<128x64xf32, #tpu.memory_space<vmem>>
      tpu.enqueue_dma source(%dma_start3A_57 : memref<128x64xf32, #tpu.memory_space<vmem>>) target(%dma_start3A_54 : memref<128x64xf32, #tpu.memory_space<vmem_shared>>) target_semaphore(%run_scoped3A : memref<!tpu.dma_semaphore, #tpu.memory_space<semaphore_mem>>)
      %dma_wait3A = arith.constant 0 : i32
      %dma_wait3A_58 = arith.constant 0 : i32
      %dma_wait3A_59 = tpu.memref_slice %arg14[%dma_wait3A, %dma_wait3A_58] : memref<512x64xf32, #tpu.memory_space<vmem>> -> memref<128x64xf32, #tpu.memory_space<vmem>>
      %dma_wait3A_60 = arith.constant 0 : i32
      %dma_wait3A_61 = tpu.memref_slice %arg16[%add3A_15, %dma_wait3A_60] : memref<10000x64xf32, #tpu.memory_space<vmem_shared>> -> memref<128x64xf32, #tpu.memory_space<vmem_shared>>
      %dma_wait3A_62 = arith.constant 0 : i32
      %dma_wait3A_63 = tpu.memref_slice %arg16[%add3A_15, %dma_wait3A_62] : memref<10000x64xf32, #tpu.memory_space<vmem_shared>> -> memref<128x64xf32, #tpu.memory_space<vmem_shared>>
      %dma_wait3A_64 = arith.constant 0 : i32
      %dma_wait3A_65 = arith.constant 0 : i32
      %dma_wait3A_66 = tpu.memref_slice %arg14[%dma_wait3A_64, %dma_wait3A_65] : memref<512x64xf32, #tpu.memory_space<vmem>> -> memref<128x64xf32, #tpu.memory_space<vmem>>
      tpu.wait_dma2 semaphore(%run_scoped3A : memref<!tpu.dma_semaphore, #tpu.memory_space<semaphore_mem>>) src(%dma_wait3A_66 : memref<128x64xf32, #tpu.memory_space<vmem>>) dst(%dma_wait3A_63 : memref<128x64xf32, #tpu.memory_space<vmem_shared>>)
      tpu.yield
    }) : () -> ()
    %mul3A_16 = arith.constant 624 : i32
    %mul3A_17 = arith.muli %arg1, %mul3A_16 : i32
    %add3A_18 = arith.constant 384 : i32
    %add3A_19 = arith.addi %mul3A_17, %add3A_18 : i32
    "tpu.region"() ({
      %run_scoped3A = tpu.sem_alloc : memref<!tpu.dma_semaphore, #tpu.memory_space<semaphore_mem>>
      %dma_start3A = arith.constant 0 : i32
      %dma_start3A_49 = arith.constant 0 : i32
      %dma_start3A_50 = tpu.memref_slice %arg14[%dma_start3A, %dma_start3A_49] : memref<512x64xf32, #tpu.memory_space<vmem>> -> memref<128x64xf32, #tpu.memory_space<vmem>>
      %dma_start3A_51 = arith.constant 0 : i32
      %dma_start3A_52 = tpu.memref_slice %arg16[%add3A_19, %dma_start3A_51] : memref<10000x64xf32, #tpu.memory_space<vmem_shared>> -> memref<128x64xf32, #tpu.memory_space<vmem_shared>>
      %dma_start3A_53 = arith.constant 0 : i32
      %dma_start3A_54 = tpu.memref_slice %arg16[%add3A_19, %dma_start3A_53] : memref<10000x64xf32, #tpu.memory_space<vmem_shared>> -> memref<128x64xf32, #tpu.memory_space<vmem_shared>>
      %dma_start3A_55 = arith.constant 0 : i32
      %dma_start3A_56 = arith.constant 0 : i32
      %dma_start3A_57 = tpu.memref_slice %arg14[%dma_start3A_55, %dma_start3A_56] : memref<512x64xf32, #tpu.memory_space<vmem>> -> memref<128x64xf32, #tpu.memory_space<vmem>>
      tpu.enqueue_dma source(%dma_start3A_57 : memref<128x64xf32, #tpu.memory_space<vmem>>) target(%dma_start3A_54 : memref<128x64xf32, #tpu.memory_space<vmem_shared>>) target_semaphore(%run_scoped3A : memref<!tpu.dma_semaphore, #tpu.memory_space<semaphore_mem>>)
      %dma_wait3A = arith.constant 0 : i32
      %dma_wait3A_58 = arith.constant 0 : i32
      %dma_wait3A_59 = tpu.memref_slice %arg14[%dma_wait3A, %dma_wait3A_58] : memref<512x64xf32, #tpu.memory_space<vmem>> -> memref<128x64xf32, #tpu.memory_space<vmem>>
      %dma_wait3A_60 = arith.constant 0 : i32
      %dma_wait3A_61 = tpu.memref_slice %arg16[%add3A_19, %dma_wait3A_60] : memref<10000x64xf32, #tpu.memory_space<vmem_shared>> -> memref<128x64xf32, #tpu.memory_space<vmem_shared>>
      %dma_wait3A_62 = arith.constant 0 : i32
      %dma_wait3A_63 = tpu.memref_slice %arg16[%add3A_19, %dma_wait3A_62] : memref<10000x64xf32, #tpu.memory_space<vmem_shared>> -> memref<128x64xf32, #tpu.memory_space<vmem_shared>>
      %dma_wait3A_64 = arith.constant 0 : i32
      %dma_wait3A_65 = arith.constant 0 : i32
      %dma_wait3A_66 = tpu.memref_slice %arg14[%dma_wait3A_64, %dma_wait3A_65] : memref<512x64xf32, #tpu.memory_space<vmem>> -> memref<128x64xf32, #tpu.memory_space<vmem>>
      tpu.wait_dma2 semaphore(%run_scoped3A : memref<!tpu.dma_semaphore, #tpu.memory_space<semaphore_mem>>) src(%dma_wait3A_66 : memref<128x64xf32, #tpu.memory_space<vmem>>) dst(%dma_wait3A_63 : memref<128x64xf32, #tpu.memory_space<vmem_shared>>)
      tpu.yield
    }) : () -> ()
    %mul3A_20 = arith.constant 624 : i32
    %mul3A_21 = arith.muli %arg1, %mul3A_20 : i32
    %add3A_22 = arith.constant 512 : i32
    %add3A_23 = arith.addi %mul3A_21, %add3A_22 : i32
    "tpu.region"() ({
      %run_scoped3A = tpu.sem_alloc : memref<!tpu.dma_semaphore, #tpu.memory_space<semaphore_mem>>
      %dma_start3A = arith.constant 0 : i32
      %dma_start3A_49 = arith.constant 0 : i32
      %dma_start3A_50 = tpu.memref_slice %arg14[%dma_start3A, %dma_start3A_49] : memref<512x64xf32, #tpu.memory_space<vmem>> -> memref<112x64xf32, #tpu.memory_space<vmem>>
      %dma_start3A_51 = arith.constant 0 : i32
      %dma_start3A_52 = tpu.memref_slice %arg16[%add3A_23, %dma_start3A_51] : memref<10000x64xf32, #tpu.memory_space<vmem_shared>> -> memref<112x64xf32, #tpu.memory_space<vmem_shared>>
      %dma_start3A_53 = arith.constant 0 : i32
      %dma_start3A_54 = tpu.memref_slice %arg16[%add3A_23, %dma_start3A_53] : memref<10000x64xf32, #tpu.memory_space<vmem_shared>> -> memref<112x64xf32, #tpu.memory_space<vmem_shared>>
      %dma_start3A_55 = arith.constant 0 : i32
      %dma_start3A_56 = arith.constant 0 : i32
      %dma_start3A_57 = tpu.memref_slice %arg14[%dma_start3A_55, %dma_start3A_56] : memref<512x64xf32, #tpu.memory_space<vmem>> -> memref<112x64xf32, #tpu.memory_space<vmem>>
      tpu.enqueue_dma source(%dma_start3A_57 : memref<112x64xf32, #tpu.memory_space<vmem>>) target(%dma_start3A_54 : memref<112x64xf32, #tpu.memory_space<vmem_shared>>) target_semaphore(%run_scoped3A : memref<!tpu.dma_semaphore, #tpu.memory_space<semaphore_mem>>)
      %dma_wait3A = arith.constant 0 : i32
      %dma_wait3A_58 = arith.constant 0 : i32
      %dma_wait3A_59 = tpu.memref_slice %arg14[%dma_wait3A, %dma_wait3A_58] : memref<512x64xf32, #tpu.memory_space<vmem>> -> memref<112x64xf32, #tpu.memory_space<vmem>>
      %dma_wait3A_60 = arith.constant 0 : i32
      %dma_wait3A_61 = tpu.memref_slice %arg16[%add3A_23, %dma_wait3A_60] : memref<10000x64xf32, #tpu.memory_space<vmem_shared>> -> memref<112x64xf32, #tpu.memory_space<vmem_shared>>
      %dma_wait3A_62 = arith.constant 0 : i32
      %dma_wait3A_63 = tpu.memref_slice %arg16[%add3A_23, %dma_wait3A_62] : memref<10000x64xf32, #tpu.memory_space<vmem_shared>> -> memref<112x64xf32, #tpu.memory_space<vmem_shared>>
      %dma_wait3A_64 = arith.constant 0 : i32
      %dma_wait3A_65 = arith.constant 0 : i32
      %dma_wait3A_66 = tpu.memref_slice %arg14[%dma_wait3A_64, %dma_wait3A_65] : memref<512x64xf32, #tpu.memory_space<vmem>> -> memref<112x64xf32, #tpu.memory_space<vmem>>
      tpu.wait_dma2 semaphore(%run_scoped3A : memref<!tpu.dma_semaphore, #tpu.memory_space<semaphore_mem>>) src(%dma_wait3A_66 : memref<112x64xf32, #tpu.memory_space<vmem>>) dst(%dma_wait3A_63 : memref<112x64xf32, #tpu.memory_space<vmem_shared>>)
      tpu.yield
    }) : () -> ()
    %eq3A = arith.constant 15 : i32
    %eq3A_24 = arith.cmpi eq, %arg1, %eq3A : i32
    %convert_element_type3A = arith.extui %eq3A_24 : i1 to i32
    %cond3A = arith.constant 0 : i32
    %cond3A_25 = arith.cmpi ne, %convert_element_type3A, %cond3A : i32
    scf.if %cond3A_25 {
      "tpu.region"() ({
        %run_scoped3A = tpu.sem_alloc : memref<!tpu.dma_semaphore, #tpu.memory_space<semaphore_mem>>
        %dma_start3A = arith.constant 0 : i32
        %dma_start3A_49 = arith.constant 0 : i32
        %dma_start3A_50 = tpu.memref_slice %arg14[%dma_start3A, %dma_start3A_49] : memref<512x64xf32, #tpu.memory_space<vmem>> -> memref<16x64xf32, #tpu.memory_space<vmem>>
        %dma_start3A_51 = arith.constant 9984 : i32
        %dma_start3A_52 = arith.constant 0 : i32
        %dma_start3A_53 = tpu.memref_slice %arg16[%dma_start3A_51, %dma_start3A_52] : memref<10000x64xf32, #tpu.memory_space<vmem_shared>> -> memref<16x64xf32, #tpu.memory_space<vmem_shared>>
        %dma_start3A_54 = arith.constant 9984 : i32
        %dma_start3A_55 = arith.constant 0 : i32
        %dma_start3A_56 = tpu.memref_slice %arg16[%dma_start3A_54, %dma_start3A_55] : memref<10000x64xf32, #tpu.memory_space<vmem_shared>> -> memref<16x64xf32, #tpu.memory_space<vmem_shared>>
        %dma_start3A_57 = arith.constant 0 : i32
        %dma_start3A_58 = arith.constant 0 : i32
        %dma_start3A_59 = tpu.memref_slice %arg14[%dma_start3A_57, %dma_start3A_58] : memref<512x64xf32, #tpu.memory_space<vmem>> -> memref<16x64xf32, #tpu.memory_space<vmem>>
        tpu.enqueue_dma source(%dma_start3A_59 : memref<16x64xf32, #tpu.memory_space<vmem>>) target(%dma_start3A_56 : memref<16x64xf32, #tpu.memory_space<vmem_shared>>) target_semaphore(%run_scoped3A : memref<!tpu.dma_semaphore, #tpu.memory_space<semaphore_mem>>)
        %dma_wait3A = arith.constant 0 : i32
        %dma_wait3A_60 = arith.constant 0 : i32
        %dma_wait3A_61 = tpu.memref_slice %arg14[%dma_wait3A, %dma_wait3A_60] : memref<512x64xf32, #tpu.memory_space<vmem>> -> memref<16x64xf32, #tpu.memory_space<vmem>>
        %dma_wait3A_62 = arith.constant 9984 : i32
        %dma_wait3A_63 = arith.constant 0 : i32
        %dma_wait3A_64 = tpu.memref_slice %arg16[%dma_wait3A_62, %dma_wait3A_63] : memref<10000x64xf32, #tpu.memory_space<vmem_shared>> -> memref<16x64xf32, #tpu.memory_space<vmem_shared>>
        %dma_wait3A_65 = arith.constant 9984 : i32
        %dma_wait3A_66 = arith.constant 0 : i32
        %dma_wait3A_67 = tpu.memref_slice %arg16[%dma_wait3A_65, %dma_wait3A_66] : memref<10000x64xf32, #tpu.memory_space<vmem_shared>> -> memref<16x64xf32, #tpu.memory_space<vmem_shared>>
        %dma_wait3A_68 = arith.constant 0 : i32
        %dma_wait3A_69 = arith.constant 0 : i32
        %dma_wait3A_70 = tpu.memref_slice %arg14[%dma_wait3A_68, %dma_wait3A_69] : memref<512x64xf32, #tpu.memory_space<vmem>> -> memref<16x64xf32, #tpu.memory_space<vmem>>
        tpu.wait_dma2 semaphore(%run_scoped3A : memref<!tpu.dma_semaphore, #tpu.memory_space<semaphore_mem>>) src(%dma_wait3A_70 : memref<16x64xf32, #tpu.memory_space<vmem>>) dst(%dma_wait3A_67 : memref<16x64xf32, #tpu.memory_space<vmem_shared>>)
        tpu.yield
      }) : () -> ()
    } else {
    }
    %barrier3A = arith.constant 0 : index
    tpu.barrier barrier_id(%barrier3A)
    %eq3A_26 = arith.constant 0 : i32
    %eq3A_27 = arith.cmpi eq, %arg0, %eq3A_26 : i32
    %convert_element_type3A_28 = arith.extui %eq3A_27 : i1 to i32
    %cond3A_29 = arith.constant 0 : i32
    %cond3A_30 = arith.cmpi ne, %convert_element_type3A_28, %cond3A_29 : i32
    scf.if %cond3A_30 {
      %scan3A_49 = arith.constant 0 : i32
      %scan3A_50 = arith.constant 0 : i32
      %scan3A_51 = arith.constant 40 : i32
      %scan3A_52 = arith.addi %scan3A_50, %scan3A_51 : i32
      %scan3A_53 = arith.constant 1 : i32
      scf.for %scan3A_55 = %scan3A_50 to %scan3A_52 step %scan3A_53  : i32 {
        %mul3A_56 = arith.constant 160 : i32
        %mul3A_57 = arith.muli %arg1, %mul3A_56 : i32
        %mul3A_58 = arith.constant 4 : i32
        %mul3A_59 = arith.muli %scan3A_55, %mul3A_58 : i32
        %add3A_60 = arith.addi %mul3A_57, %mul3A_59 : i32
        %dma_start3A = arith.constant 0 : i32
        %dma_start3A_61 = arith.constant 0 : i32
        %dma_start3A_62 = arith.constant 0 : i32
        %dma_start3A_63 = tpu.memref_slice %arg11[%dma_start3A, %dma_start3A_61, %dma_start3A_62] : memref<2x4x128xi32, #tpu.memory_space<vmem>> -> memref<1x4x128xi32, #tpu.memory_space<vmem>>
        %dma_start3A_64 = tpu.memref_squeeze %dma_start3A_63 : memref<1x4x128xi32, #tpu.memory_space<vmem>> -> memref<4x128xi32, #tpu.memory_space<vmem>>
        %dma_start3A_65 = arith.constant 0 : i32
        %dma_start3A_66 = tpu.memref_slice %arg4[%add3A_60, %dma_start3A_65] : memref<2560x128xi32, #tpu.memory_space<hbm>> -> memref<4x128xi32, #tpu.memory_space<hbm>>
        %dma_start3A_67 = arith.constant 0 : i32
        %dma_start3A_68 = arith.constant 0 : i32
        %dma_start3A_69 = tpu.memref_slice %arg11[%dma_start3A, %dma_start3A_67, %dma_start3A_68] : memref<2x4x128xi32, #tpu.memory_space<vmem>> -> memref<1x4x128xi32, #tpu.memory_space<vmem>>
        %dma_start3A_70 = tpu.memref_squeeze %dma_start3A_69 : memref<1x4x128xi32, #tpu.memory_space<vmem>> -> memref<4x128xi32, #tpu.memory_space<vmem>>
        %dma_start3A_71 = arith.constant 0 : i32
        %dma_start3A_72 = tpu.memref_slice %arg4[%add3A_60, %dma_start3A_71] : memref<2560x128xi32, #tpu.memory_space<hbm>> -> memref<4x128xi32, #tpu.memory_space<hbm>>
        tpu.enqueue_dma source(%dma_start3A_72 : memref<4x128xi32, #tpu.memory_space<hbm>>) target(%dma_start3A_70 : memref<4x128xi32, #tpu.memory_space<vmem>>) target_semaphore(%arg19 : memref<!tpu.dma_semaphore, #tpu.memory_space<semaphore_mem>>)
        %dma_start3A_73 = arith.constant 0 : i32
        %dma_start3A_74 = arith.constant 0 : i32
        %dma_start3A_75 = arith.constant 0 : i32
        %dma_start3A_76 = tpu.memref_slice %arg12[%dma_start3A_73, %dma_start3A_74, %dma_start3A_75] : memref<2x4x128xi32, #tpu.memory_space<vmem>> -> memref<1x4x128xi32, #tpu.memory_space<vmem>>
        %dma_start3A_77 = tpu.memref_squeeze %dma_start3A_76 : memref<1x4x128xi32, #tpu.memory_space<vmem>> -> memref<4x128xi32, #tpu.memory_space<vmem>>
        %dma_start3A_78 = arith.constant 0 : i32
        %dma_start3A_79 = tpu.memref_slice %arg5[%add3A_60, %dma_start3A_78] : memref<2560x128xi32, #tpu.memory_space<hbm>> -> memref<4x128xi32, #tpu.memory_space<hbm>>
        %dma_start3A_80 = arith.constant 0 : i32
        %dma_start3A_81 = arith.constant 0 : i32
        %dma_start3A_82 = tpu.memref_slice %arg12[%dma_start3A_73, %dma_start3A_80, %dma_start3A_81] : memref<2x4x128xi32, #tpu.memory_space<vmem>> -> memref<1x4x128xi32, #tpu.memory_space<vmem>>
        %dma_start3A_83 = tpu.memref_squeeze %dma_start3A_82 : memref<1x4x128xi32, #tpu.memory_space<vmem>> -> memref<4x128xi32, #tpu.memory_space<vmem>>
        %dma_start3A_84 = arith.constant 0 : i32
        %dma_start3A_85 = tpu.memref_slice %arg5[%add3A_60, %dma_start3A_84] : memref<2560x128xi32, #tpu.memory_space<hbm>> -> memref<4x128xi32, #tpu.memory_space<hbm>>
        tpu.enqueue_dma source(%dma_start3A_85 : memref<4x128xi32, #tpu.memory_space<hbm>>) target(%dma_start3A_83 : memref<4x128xi32, #tpu.memory_space<vmem>>) target_semaphore(%arg19 : memref<!tpu.dma_semaphore, #tpu.memory_space<semaphore_mem>>)
        %dma_start3A_86 = arith.constant 0 : i32
        %dma_start3A_87 = arith.constant 0 : i32
        %dma_start3A_88 = arith.constant 0 : i32
        %dma_start3A_89 = tpu.memref_slice %arg13[%dma_start3A_86, %dma_start3A_87, %dma_start3A_88] : memref<2x4x128xf32, #tpu.memory_space<vmem>> -> memref<1x4x128xf32, #tpu.memory_space<vmem>>
        %dma_start3A_90 = tpu.memref_squeeze %dma_start3A_89 : memref<1x4x128xf32, #tpu.memory_space<vmem>> -> memref<4x128xf32, #tpu.memory_space<vmem>>
        %dma_start3A_91 = arith.constant 0 : i32
        %dma_start3A_92 = tpu.memref_slice %arg6[%add3A_60, %dma_start3A_91] : memref<2560x128xf32, #tpu.memory_space<hbm>> -> memref<4x128xf32, #tpu.memory_space<hbm>>
        %dma_start3A_93 = arith.constant 0 : i32
        %dma_start3A_94 = arith.constant 0 : i32
        %dma_start3A_95 = tpu.memref_slice %arg13[%dma_start3A_86, %dma_start3A_93, %dma_start3A_94] : memref<2x4x128xf32, #tpu.memory_space<vmem>> -> memref<1x4x128xf32, #tpu.memory_space<vmem>>
        %dma_start3A_96 = tpu.memref_squeeze %dma_start3A_95 : memref<1x4x128xf32, #tpu.memory_space<vmem>> -> memref<4x128xf32, #tpu.memory_space<vmem>>
        %dma_start3A_97 = arith.constant 0 : i32
        %dma_start3A_98 = tpu.memref_slice %arg6[%add3A_60, %dma_start3A_97] : memref<2560x128xf32, #tpu.memory_space<hbm>> -> memref<4x128xf32, #tpu.memory_space<hbm>>
        tpu.enqueue_dma source(%dma_start3A_98 : memref<4x128xf32, #tpu.memory_space<hbm>>) target(%dma_start3A_96 : memref<4x128xf32, #tpu.memory_space<vmem>>) target_semaphore(%arg19 : memref<!tpu.dma_semaphore, #tpu.memory_space<semaphore_mem>>)
        %dma_wait3A = arith.constant 0 : i32
        %dma_wait3A_99 = arith.constant 0 : i32
        %dma_wait3A_100 = arith.constant 0 : i32
        %dma_wait3A_101 = tpu.memref_slice %arg11[%dma_wait3A, %dma_wait3A_99, %dma_wait3A_100] : memref<2x4x128xi32, #tpu.memory_space<vmem>> -> memref<1x4x128xi32, #tpu.memory_space<vmem>>
        %dma_wait3A_102 = tpu.memref_squeeze %dma_wait3A_101 : memref<1x4x128xi32, #tpu.memory_space<vmem>> -> memref<4x128xi32, #tpu.memory_space<vmem>>
        %dma_wait3A_103 = arith.constant 0 : i32
        %dma_wait3A_104 = arith.constant 0 : i32
        %dma_wait3A_105 = tpu.memref_slice %arg4[%dma_wait3A_103, %dma_wait3A_104] : memref<2560x128xi32, #tpu.memory_space<hbm>> -> memref<4x128xi32, #tpu.memory_space<hbm>>
        %dma_wait3A_106 = arith.constant 0 : i32
        %dma_wait3A_107 = arith.constant 0 : i32
        %dma_wait3A_108 = tpu.memref_slice %arg11[%dma_wait3A, %dma_wait3A_106, %dma_wait3A_107] : memref<2x4x128xi32, #tpu.memory_space<vmem>> -> memref<1x4x128xi32, #tpu.memory_space<vmem>>
        %dma_wait3A_109 = tpu.memref_squeeze %dma_wait3A_108 : memref<1x4x128xi32, #tpu.memory_space<vmem>> -> memref<4x128xi32, #tpu.memory_space<vmem>>
        %dma_wait3A_110 = arith.constant 0 : i32
        %dma_wait3A_111 = arith.constant 0 : i32
        %dma_wait3A_112 = tpu.memref_slice %arg4[%dma_wait3A_110, %dma_wait3A_111] : memref<2560x128xi32, #tpu.memory_space<hbm>> -> memref<4x128xi32, #tpu.memory_space<hbm>>
        tpu.wait_dma2 semaphore(%arg19 : memref<!tpu.dma_semaphore, #tpu.memory_space<semaphore_mem>>) src(%dma_wait3A_112 : memref<4x128xi32, #tpu.memory_space<hbm>>) dst(%dma_wait3A_109 : memref<4x128xi32, #tpu.memory_space<vmem>>)
        %dma_wait3A_113 = arith.constant 0 : i32
        %dma_wait3A_114 = arith.constant 0 : i32
        %dma_wait3A_115 = arith.constant 0 : i32
        %dma_wait3A_116 = tpu.memref_slice %arg12[%dma_wait3A_113, %dma_wait3A_114, %dma_wait3A_115] : memref<2x4x128xi32, #tpu.memory_space<vmem>> -> memref<1x4x128xi32, #tpu.memory_space<vmem>>
        %dma_wait3A_117 = tpu.memref_squeeze %dma_wait3A_116 : memref<1x4x128xi32, #tpu.memory_space<vmem>> -> memref<4x128xi32, #tpu.memory_space<vmem>>
        %dma_wait3A_118 = arith.constant 0 : i32
        %dma_wait3A_119 = arith.constant 0 : i32
        %dma_wait3A_120 = tpu.memref_slice %arg5[%dma_wait3A_118, %dma_wait3A_119] : memref<2560x128xi32, #tpu.memory_space<hbm>> -> memref<4x128xi32, #tpu.memory_space<hbm>>
        %dma_wait3A_121 = arith.constant 0 : i32
        %dma_wait3A_122 = arith.constant 0 : i32
        %dma_wait3A_123 = tpu.memref_slice %arg12[%dma_wait3A_113, %dma_wait3A_121, %dma_wait3A_122] : memref<2x4x128xi32, #tpu.memory_space<vmem>> -> memref<1x4x128xi32, #tpu.memory_space<vmem>>
        %dma_wait3A_124 = tpu.memref_squeeze %dma_wait3A_123 : memref<1x4x128xi32, #tpu.memory_space<vmem>> -> memref<4x128xi32, #tpu.memory_space<vmem>>
        %dma_wait3A_125 = arith.constant 0 : i32
        %dma_wait3A_126 = arith.constant 0 : i32
        %dma_wait3A_127 = tpu.memref_slice %arg5[%dma_wait3A_125, %dma_wait3A_126] : memref<2560x128xi32, #tpu.memory_space<hbm>> -> memref<4x128xi32, #tpu.memory_space<hbm>>
        tpu.wait_dma2 semaphore(%arg19 : memref<!tpu.dma_semaphore, #tpu.memory_space<semaphore_mem>>) src(%dma_wait3A_127 : memref<4x128xi32, #tpu.memory_space<hbm>>) dst(%dma_wait3A_124 : memref<4x128xi32, #tpu.memory_space<vmem>>)
        %dma_wait3A_128 = arith.constant 0 : i32
        %dma_wait3A_129 = arith.constant 0 : i32
        %dma_wait3A_130 = arith.constant 0 : i32
        %dma_wait3A_131 = tpu.memref_slice %arg13[%dma_wait3A_128, %dma_wait3A_129, %dma_wait3A_130] : memref<2x4x128xf32, #tpu.memory_space<vmem>> -> memref<1x4x128xf32, #tpu.memory_space<vmem>>
        %dma_wait3A_132 = tpu.memref_squeeze %dma_wait3A_131 : memref<1x4x128xf32, #tpu.memory_space<vmem>> -> memref<4x128xf32, #tpu.memory_space<vmem>>
        %dma_wait3A_133 = arith.constant 0 : i32
        %dma_wait3A_134 = arith.constant 0 : i32
        %dma_wait3A_135 = tpu.memref_slice %arg6[%dma_wait3A_133, %dma_wait3A_134] : memref<2560x128xf32, #tpu.memory_space<hbm>> -> memref<4x128xf32, #tpu.memory_space<hbm>>
        %dma_wait3A_136 = arith.constant 0 : i32
        %dma_wait3A_137 = arith.constant 0 : i32
        %dma_wait3A_138 = tpu.memref_slice %arg13[%dma_wait3A_128, %dma_wait3A_136, %dma_wait3A_137] : memref<2x4x128xf32, #tpu.memory_space<vmem>> -> memref<1x4x128xf32, #tpu.memory_space<vmem>>
        %dma_wait3A_139 = tpu.memref_squeeze %dma_wait3A_138 : memref<1x4x128xf32, #tpu.memory_space<vmem>> -> memref<4x128xf32, #tpu.memory_space<vmem>>
        %dma_wait3A_140 = arith.constant 0 : i32
        %dma_wait3A_141 = arith.constant 0 : i32
        %dma_wait3A_142 = tpu.memref_slice %arg6[%dma_wait3A_140, %dma_wait3A_141] : memref<2560x128xf32, #tpu.memory_space<hbm>> -> memref<4x128xf32, #tpu.memory_space<hbm>>
        tpu.wait_dma2 semaphore(%arg19 : memref<!tpu.dma_semaphore, #tpu.memory_space<semaphore_mem>>) src(%dma_wait3A_142 : memref<4x128xf32, #tpu.memory_space<hbm>>) dst(%dma_wait3A_139 : memref<4x128xf32, #tpu.memory_space<vmem>>)
        %dma_start3A_143 = arith.constant 0 : i32
        %dma_start3A_144 = arith.constant 0 : i32
        %dma_start3A_145 = arith.constant 0 : i32
        %dma_start3A_146 = arith.constant 0 : i32
        %dma_start3A_147 = tpu.memref_slice %arg14[%dma_start3A_145, %dma_start3A_146] : memref<512x64xf32, #tpu.memory_space<vmem>> -> memref<128x64xf32, #tpu.memory_space<vmem>>
        %dma_start3A_148 = arith.constant 0 : i32
        %dma_start3A_149 = tpu.memref_slice %arg11[%dma_start3A_143, %dma_start3A_144, %dma_start3A_148] : memref<2x4x128xi32, #tpu.memory_space<vmem>> -> memref<1x1x128xi32, #tpu.memory_space<vmem>>
        %dma_start3A_150 = tpu.memref_squeeze %dma_start3A_149 : memref<1x1x128xi32, #tpu.memory_space<vmem>> -> memref<128xi32, #tpu.memory_space<vmem>>
        %dma_start3A_151 = arith.constant 0 : i32
        %dma_start3A_152 = arith.constant 0 : i32
        %dma_start3A_153 = tpu.memref_slice %arg2[%dma_start3A_151, %dma_start3A_152] : memref<10000x64xf32, #tpu.memory_space<hbm>> -> memref<10000x64xf32, #tpu.memory_space<hbm>>
        tpu.enqueue_indirect_dma source(%dma_start3A_153 : memref<10000x64xf32, #tpu.memory_space<hbm>>) target(%dma_start3A_147 : memref<128x64xf32, #tpu.memory_space<vmem>>) offsets(%dma_start3A_150 : memref<128xi32, #tpu.memory_space<vmem>>) semaphore(%arg17 : memref<!tpu.dma_semaphore, #tpu.memory_space<semaphore_mem>>)
        %dma_start3A_154 = arith.constant 0 : i32
        %dma_start3A_155 = arith.constant 1 : i32
        %dma_start3A_156 = arith.constant 128 : i32
        %dma_start3A_157 = arith.constant 0 : i32
        %dma_start3A_158 = tpu.memref_slice %arg14[%dma_start3A_156, %dma_start3A_157] : memref<512x64xf32, #tpu.memory_space<vmem>> -> memref<128x64xf32, #tpu.memory_space<vmem>>
        %dma_start3A_159 = arith.constant 0 : i32
        %dma_start3A_160 = tpu.memref_slice %arg11[%dma_start3A_154, %dma_start3A_155, %dma_start3A_159] : memref<2x4x128xi32, #tpu.memory_space<vmem>> -> memref<1x1x128xi32, #tpu.memory_space<vmem>>
        %dma_start3A_161 = tpu.memref_squeeze %dma_start3A_160 : memref<1x1x128xi32, #tpu.memory_space<vmem>> -> memref<128xi32, #tpu.memory_space<vmem>>
        %dma_start3A_162 = arith.constant 0 : i32
        %dma_start3A_163 = arith.constant 0 : i32
        %dma_start3A_164 = tpu.memref_slice %arg2[%dma_start3A_162, %dma_start3A_163] : memref<10000x64xf32, #tpu.memory_space<hbm>> -> memref<10000x64xf32, #tpu.memory_space<hbm>>
        tpu.enqueue_indirect_dma source(%dma_start3A_164 : memref<10000x64xf32, #tpu.memory_space<hbm>>) target(%dma_start3A_158 : memref<128x64xf32, #tpu.memory_space<vmem>>) offsets(%dma_start3A_161 : memref<128xi32, #tpu.memory_space<vmem>>) semaphore(%arg17 : memref<!tpu.dma_semaphore, #tpu.memory_space<semaphore_mem>>)
        %dma_start3A_165 = arith.constant 0 : i32
        %dma_start3A_166 = arith.constant 2 : i32
        %dma_start3A_167 = arith.constant 256 : i32
        %dma_start3A_168 = arith.constant 0 : i32
        %dma_start3A_169 = tpu.memref_slice %arg14[%dma_start3A_167, %dma_start3A_168] : memref<512x64xf32, #tpu.memory_space<vmem>> -> memref<128x64xf32, #tpu.memory_space<vmem>>
        %dma_start3A_170 = arith.constant 0 : i32
        %dma_start3A_171 = tpu.memref_slice %arg11[%dma_start3A_165, %dma_start3A_166, %dma_start3A_170] : memref<2x4x128xi32, #tpu.memory_space<vmem>> -> memref<1x1x128xi32, #tpu.memory_space<vmem>>
        %dma_start3A_172 = tpu.memref_squeeze %dma_start3A_171 : memref<1x1x128xi32, #tpu.memory_space<vmem>> -> memref<128xi32, #tpu.memory_space<vmem>>
        %dma_start3A_173 = arith.constant 0 : i32
        %dma_start3A_174 = arith.constant 0 : i32
        %dma_start3A_175 = tpu.memref_slice %arg2[%dma_start3A_173, %dma_start3A_174] : memref<10000x64xf32, #tpu.memory_space<hbm>> -> memref<10000x64xf32, #tpu.memory_space<hbm>>
        tpu.enqueue_indirect_dma source(%dma_start3A_175 : memref<10000x64xf32, #tpu.memory_space<hbm>>) target(%dma_start3A_169 : memref<128x64xf32, #tpu.memory_space<vmem>>) offsets(%dma_start3A_172 : memref<128xi32, #tpu.memory_space<vmem>>) semaphore(%arg17 : memref<!tpu.dma_semaphore, #tpu.memory_space<semaphore_mem>>)
        %dma_start3A_176 = arith.constant 0 : i32
        %dma_start3A_177 = arith.constant 3 : i32
        %dma_start3A_178 = arith.constant 384 : i32
        %dma_start3A_179 = arith.constant 0 : i32
        %dma_start3A_180 = tpu.memref_slice %arg14[%dma_start3A_178, %dma_start3A_179] : memref<512x64xf32, #tpu.memory_space<vmem>> -> memref<128x64xf32, #tpu.memory_space<vmem>>
        %dma_start3A_181 = arith.constant 0 : i32
        %dma_start3A_182 = tpu.memref_slice %arg11[%dma_start3A_176, %dma_start3A_177, %dma_start3A_181] : memref<2x4x128xi32, #tpu.memory_space<vmem>> -> memref<1x1x128xi32, #tpu.memory_space<vmem>>
        %dma_start3A_183 = tpu.memref_squeeze %dma_start3A_182 : memref<1x1x128xi32, #tpu.memory_space<vmem>> -> memref<128xi32, #tpu.memory_space<vmem>>
        %dma_start3A_184 = arith.constant 0 : i32
        %dma_start3A_185 = arith.constant 0 : i32
        %dma_start3A_186 = tpu.memref_slice %arg2[%dma_start3A_184, %dma_start3A_185] : memref<10000x64xf32, #tpu.memory_space<hbm>> -> memref<10000x64xf32, #tpu.memory_space<hbm>>
        tpu.enqueue_indirect_dma source(%dma_start3A_186 : memref<10000x64xf32, #tpu.memory_space<hbm>>) target(%dma_start3A_180 : memref<128x64xf32, #tpu.memory_space<vmem>>) offsets(%dma_start3A_183 : memref<128xi32, #tpu.memory_space<vmem>>) semaphore(%arg17 : memref<!tpu.dma_semaphore, #tpu.memory_space<semaphore_mem>>)
        %dma_wait3A_187 = arith.constant 0 : i32
        %dma_wait3A_188 = arith.constant 0 : i32
        %dma_wait3A_189 = tpu.memref_slice %arg14[%dma_wait3A_187, %dma_wait3A_188] : memref<512x64xf32, #tpu.memory_space<vmem>> -> memref<128x64xf32, #tpu.memory_space<vmem>>
        %dma_wait3A_190 = arith.constant 0 : i32
        %dma_wait3A_191 = arith.constant 0 : i32
        %dma_wait3A_192 = tpu.memref_slice %arg2[%dma_wait3A_190, %dma_wait3A_191] : memref<10000x64xf32, #tpu.memory_space<hbm>> -> memref<128x64xf32, #tpu.memory_space<hbm>>
        %dma_wait3A_193 = arith.constant 0 : i32
        %dma_wait3A_194 = arith.constant 0 : i32
        %dma_wait3A_195 = tpu.memref_slice %arg14[%dma_wait3A_193, %dma_wait3A_194] : memref<512x64xf32, #tpu.memory_space<vmem>> -> memref<128x64xf32, #tpu.memory_space<vmem>>
        %dma_wait3A_196 = arith.constant 0 : i32
        %dma_wait3A_197 = arith.constant 0 : i32
        %dma_wait3A_198 = tpu.memref_slice %arg2[%dma_wait3A_196, %dma_wait3A_197] : memref<10000x64xf32, #tpu.memory_space<hbm>> -> memref<128x64xf32, #tpu.memory_space<hbm>>
        tpu.wait_dma2 semaphore(%arg17 : memref<!tpu.dma_semaphore, #tpu.memory_space<semaphore_mem>>) src(%dma_wait3A_198 : memref<128x64xf32, #tpu.memory_space<hbm>>) dst(%dma_wait3A_195 : memref<128x64xf32, #tpu.memory_space<vmem>>)
        %dma_wait3A_199 = arith.constant 128 : i32
        %dma_wait3A_200 = arith.constant 0 : i32
        %dma_wait3A_201 = tpu.memref_slice %arg14[%dma_wait3A_199, %dma_wait3A_200] : memref<512x64xf32, #tpu.memory_space<vmem>> -> memref<128x64xf32, #tpu.memory_space<vmem>>
        %dma_wait3A_202 = arith.constant 0 : i32
        %dma_wait3A_203 = arith.constant 0 : i32
        %dma_wait3A_204 = tpu.memref_slice %arg2[%dma_wait3A_202, %dma_wait3A_203] : memref<10000x64xf32, #tpu.memory_space<hbm>> -> memref<128x64xf32, #tpu.memory_space<hbm>>
        %dma_wait3A_205 = arith.constant 128 : i32
        %dma_wait3A_206 = arith.constant 0 : i32
        %dma_wait3A_207 = tpu.memref_slice %arg14[%dma_wait3A_205, %dma_wait3A_206] : memref<512x64xf32, #tpu.memory_space<vmem>> -> memref<128x64xf32, #tpu.memory_space<vmem>>
        %dma_wait3A_208 = arith.constant 0 : i32
        %dma_wait3A_209 = arith.constant 0 : i32
        %dma_wait3A_210 = tpu.memref_slice %arg2[%dma_wait3A_208, %dma_wait3A_209] : memref<10000x64xf32, #tpu.memory_space<hbm>> -> memref<128x64xf32, #tpu.memory_space<hbm>>
        tpu.wait_dma2 semaphore(%arg17 : memref<!tpu.dma_semaphore, #tpu.memory_space<semaphore_mem>>) src(%dma_wait3A_210 : memref<128x64xf32, #tpu.memory_space<hbm>>) dst(%dma_wait3A_207 : memref<128x64xf32, #tpu.memory_space<vmem>>)
        %dma_wait3A_211 = arith.constant 256 : i32
        %dma_wait3A_212 = arith.constant 0 : i32
        %dma_wait3A_213 = tpu.memref_slice %arg14[%dma_wait3A_211, %dma_wait3A_212] : memref<512x64xf32, #tpu.memory_space<vmem>> -> memref<128x64xf32, #tpu.memory_space<vmem>>
        %dma_wait3A_214 = arith.constant 0 : i32
        %dma_wait3A_215 = arith.constant 0 : i32
        %dma_wait3A_216 = tpu.memref_slice %arg2[%dma_wait3A_214, %dma_wait3A_215] : memref<10000x64xf32, #tpu.memory_space<hbm>> -> memref<128x64xf32, #tpu.memory_space<hbm>>
        %dma_wait3A_217 = arith.constant 256 : i32
        %dma_wait3A_218 = arith.constant 0 : i32
        %dma_wait3A_219 = tpu.memref_slice %arg14[%dma_wait3A_217, %dma_wait3A_218] : memref<512x64xf32, #tpu.memory_space<vmem>> -> memref<128x64xf32, #tpu.memory_space<vmem>>
        %dma_wait3A_220 = arith.constant 0 : i32
        %dma_wait3A_221 = arith.constant 0 : i32
        %dma_wait3A_222 = tpu.memref_slice %arg2[%dma_wait3A_220, %dma_wait3A_221] : memref<10000x64xf32, #tpu.memory_space<hbm>> -> memref<128x64xf32, #tpu.memory_space<hbm>>
        tpu.wait_dma2 semaphore(%arg17 : memref<!tpu.dma_semaphore, #tpu.memory_space<semaphore_mem>>) src(%dma_wait3A_222 : memref<128x64xf32, #tpu.memory_space<hbm>>) dst(%dma_wait3A_219 : memref<128x64xf32, #tpu.memory_space<vmem>>)
        %dma_wait3A_223 = arith.constant 384 : i32
        %dma_wait3A_224 = arith.constant 0 : i32
        %dma_wait3A_225 = tpu.memref_slice %arg14[%dma_wait3A_223, %dma_wait3A_224] : memref<512x64xf32, #tpu.memory_space<vmem>> -> memref<128x64xf32, #tpu.memory_space<vmem>>
        %dma_wait3A_226 = arith.constant 0 : i32
        %dma_wait3A_227 = arith.constant 0 : i32
        %dma_wait3A_228 = tpu.memref_slice %arg2[%dma_wait3A_226, %dma_wait3A_227] : memref<10000x64xf32, #tpu.memory_space<hbm>> -> memref<128x64xf32, #tpu.memory_space<hbm>>
        %dma_wait3A_229 = arith.constant 384 : i32
        %dma_wait3A_230 = arith.constant 0 : i32
        %dma_wait3A_231 = tpu.memref_slice %arg14[%dma_wait3A_229, %dma_wait3A_230] : memref<512x64xf32, #tpu.memory_space<vmem>> -> memref<128x64xf32, #tpu.memory_space<vmem>>
        %dma_wait3A_232 = arith.constant 0 : i32
        %dma_wait3A_233 = arith.constant 0 : i32
        %dma_wait3A_234 = tpu.memref_slice %arg2[%dma_wait3A_232, %dma_wait3A_233] : memref<10000x64xf32, #tpu.memory_space<hbm>> -> memref<128x64xf32, #tpu.memory_space<hbm>>
        tpu.wait_dma2 semaphore(%arg17 : memref<!tpu.dma_semaphore, #tpu.memory_space<semaphore_mem>>) src(%dma_wait3A_234 : memref<128x64xf32, #tpu.memory_space<hbm>>) dst(%dma_wait3A_231 : memref<128x64xf32, #tpu.memory_space<vmem>>)
        %parallel_loop3A = arith.constant 0 : i32
        %parallel_loop3A_235 = arith.constant 512 : i32
        %parallel_loop3A_236 = arith.constant 1 : i32
        scf.for %parallel_loop3A_244 = %parallel_loop3A to %parallel_loop3A_235 step %parallel_loop3A_236  : i32 {
          %parallel_loop3A_245 = arith.constant 7 : i32
          %parallel_loop3A_246 = arith.shrui %parallel_loop3A_244, %parallel_loop3A_245 : i32
          %parallel_loop3A_247 = arith.constant 127 : i32
          %parallel_loop3A_248 = arith.andi %parallel_loop3A_244, %parallel_loop3A_247 : i32
          %parallel_loop3A_249 = arith.constant 0 : i32
          %parallel_loop3A_250 = vector.broadcast %parallel_loop3A_249 : i32 to vector<16xi32>
          %parallel_loop3A_251 = vector.broadcast %parallel_loop3A_246 : i32 to vector<16xi32>
          %parallel_loop3A_252 = vector.broadcast %parallel_loop3A_248 : i32 to vector<16xi32>
          %parallel_loop3A_253 = tpu.vector_load_idx %arg13[%parallel_loop3A_250, %parallel_loop3A_251, %parallel_loop3A_252] : memref<2x4x128xf32, #tpu.memory_space<vmem>>[vector<16xi32>, vector<16xi32>, vector<16xi32>], vector<16xf32>,
          %parallel_loop3A_254 = arith.index_cast %parallel_loop3A_244 : i32 to index
          %parallel_loop3A_255 = arith.constant 0 : index
          %parallel_loop3A_256 = tpu.vector_load %arg14[%parallel_loop3A_254, %parallel_loop3A_255] {strides = array<i32>} : memref<512x64xf32, #tpu.memory_space<vmem>>, vector<16xf32>,
          %parallel_loop3A_257 = arith.mulf %parallel_loop3A_256, %parallel_loop3A_253 : vector<16xf32>
          %parallel_loop3A_258 = arith.index_cast %parallel_loop3A_244 : i32 to index
          %parallel_loop3A_259 = arith.constant 0 : index
          %parallel_loop3A_260 = tpu.vector_load %arg14[%parallel_loop3A_258, %parallel_loop3A_259] {strides = array<i32>} : memref<512x64xf32, #tpu.memory_space<vmem>>, vector<16xf32>,
          tpu.vector_store %arg14[%parallel_loop3A_258, %parallel_loop3A_259], %parallel_loop3A_257 {strides = array<i32>} : memref<512x64xf32, #tpu.memory_space<vmem>>, vector<16xf32>,
          %parallel_loop3A_261 = arith.index_cast %parallel_loop3A_244 : i32 to index
          %parallel_loop3A_262 = arith.constant 16 : index
          %parallel_loop3A_263 = tpu.vector_load %arg14[%parallel_loop3A_261, %parallel_loop3A_262] {strides = array<i32>} : memref<512x64xf32, #tpu.memory_space<vmem>>, vector<16xf32>,
          %parallel_loop3A_264 = arith.mulf %parallel_loop3A_263, %parallel_loop3A_253 : vector<16xf32>
          %parallel_loop3A_265 = arith.index_cast %parallel_loop3A_244 : i32 to index
          %parallel_loop3A_266 = arith.constant 16 : index
          %parallel_loop3A_267 = tpu.vector_load %arg14[%parallel_loop3A_265, %parallel_loop3A_266] {strides = array<i32>} : memref<512x64xf32, #tpu.memory_space<vmem>>, vector<16xf32>,
          tpu.vector_store %arg14[%parallel_loop3A_265, %parallel_loop3A_266], %parallel_loop3A_264 {strides = array<i32>} : memref<512x64xf32, #tpu.memory_space<vmem>>, vector<16xf32>,
          %parallel_loop3A_268 = arith.index_cast %parallel_loop3A_244 : i32 to index
          %parallel_loop3A_269 = arith.constant 32 : index
          %parallel_loop3A_270 = tpu.vector_load %arg14[%parallel_loop3A_268, %parallel_loop3A_269] {strides = array<i32>} : memref<512x64xf32, #tpu.memory_space<vmem>>, vector<16xf32>,
          %parallel_loop3A_271 = arith.mulf %parallel_loop3A_270, %parallel_loop3A_253 : vector<16xf32>
          %parallel_loop3A_272 = arith.index_cast %parallel_loop3A_244 : i32 to index
          %parallel_loop3A_273 = arith.constant 32 : index
          %parallel_loop3A_274 = tpu.vector_load %arg14[%parallel_loop3A_272, %parallel_loop3A_273] {strides = array<i32>} : memref<512x64xf32, #tpu.memory_space<vmem>>, vector<16xf32>,
          tpu.vector_store %arg14[%parallel_loop3A_272, %parallel_loop3A_273], %parallel_loop3A_271 {strides = array<i32>} : memref<512x64xf32, #tpu.memory_space<vmem>>, vector<16xf32>,
          %parallel_loop3A_275 = arith.index_cast %parallel_loop3A_244 : i32 to index
          %parallel_loop3A_276 = arith.constant 48 : index
          %parallel_loop3A_277 = tpu.vector_load %arg14[%parallel_loop3A_275, %parallel_loop3A_276] {strides = array<i32>} : memref<512x64xf32, #tpu.memory_space<vmem>>, vector<16xf32>,
          %parallel_loop3A_278 = arith.mulf %parallel_loop3A_277, %parallel_loop3A_253 : vector<16xf32>
          %parallel_loop3A_279 = arith.index_cast %parallel_loop3A_244 : i32 to index
          %parallel_loop3A_280 = arith.constant 48 : index
          %parallel_loop3A_281 = tpu.vector_load %arg14[%parallel_loop3A_279, %parallel_loop3A_280] {strides = array<i32>} : memref<512x64xf32, #tpu.memory_space<vmem>>, vector<16xf32>,
          tpu.vector_store %arg14[%parallel_loop3A_279, %parallel_loop3A_280], %parallel_loop3A_278 {strides = array<i32>} : memref<512x64xf32, #tpu.memory_space<vmem>>, vector<16xf32>,
        } {sc.loop_unroll_factor = 4 : i64, sc.parallel_access}
        %run_scoped3A = arith.constant 0 : i32
        %run_scoped3A_237 = arith.constant 0 : i32
        "tpu.region"() ({
          %run_scoped3A_244 = tpu.sem_alloc : memref<!tpu.dma_semaphore, #tpu.memory_space<semaphore_mem>>
          %dma_start3A_245 = arith.constant 0 : i32
          %dma_start3A_246 = arith.constant 0 : i32
          %dma_start3A_247 = tpu.memref_slice %arg14[%dma_start3A_245, %dma_start3A_246] : memref<512x64xf32, #tpu.memory_space<vmem>> -> memref<128x64xf32, #tpu.memory_space<vmem>>
          %dma_start3A_248 = arith.constant 0 : i32
          %dma_start3A_249 = tpu.memref_slice %arg12[%run_scoped3A, %run_scoped3A_237, %dma_start3A_248] : memref<2x4x128xi32, #tpu.memory_space<vmem>> -> memref<1x1x128xi32, #tpu.memory_space<vmem>>
          %dma_start3A_250 = tpu.memref_squeeze %dma_start3A_249 : memref<1x1x128xi32, #tpu.memory_space<vmem>> -> memref<128xi32, #tpu.memory_space<vmem>>
          %dma_start3A_251 = arith.constant 0 : i32
          %dma_start3A_252 = arith.constant 0 : i32
          %dma_start3A_253 = tpu.memref_slice %arg16[%dma_start3A_251, %dma_start3A_252] : memref<10000x64xf32, #tpu.memory_space<vmem_shared>> -> memref<10000x64xf32, #tpu.memory_space<vmem_shared>>
          tpu.enqueue_indirect_dma source(%dma_start3A_247 : memref<128x64xf32, #tpu.memory_space<vmem>>) target(%dma_start3A_253 : memref<10000x64xf32, #tpu.memory_space<vmem_shared>>) offsets(%dma_start3A_250 : memref<128xi32, #tpu.memory_space<vmem>>) semaphore(%run_scoped3A_244 : memref<!tpu.dma_semaphore, #tpu.memory_space<semaphore_mem>>) {add = true}
          %dma_wait3A_254 = arith.constant 0 : i32
          %dma_wait3A_255 = arith.constant 0 : i32
          %dma_wait3A_256 = tpu.memref_slice %arg14[%dma_wait3A_254, %dma_wait3A_255] : memref<512x64xf32, #tpu.memory_space<vmem>> -> memref<128x64xf32, #tpu.memory_space<vmem>>
          %dma_wait3A_257 = arith.constant 0 : i32
          %dma_wait3A_258 = tpu.memref_slice %arg12[%run_scoped3A, %run_scoped3A_237, %dma_wait3A_257] : memref<2x4x128xi32, #tpu.memory_space<vmem>> -> memref<1x1x128xi32, #tpu.memory_space<vmem>>
          %dma_wait3A_259 = tpu.memref_squeeze %dma_wait3A_258 : memref<1x1x128xi32, #tpu.memory_space<vmem>> -> memref<128xi32, #tpu.memory_space<vmem>>
          %dma_wait3A_260 = arith.constant 0 : i32
          %dma_wait3A_261 = arith.constant 0 : i32
          %dma_wait3A_262 = tpu.memref_slice %arg16[%dma_wait3A_260, %dma_wait3A_261] : memref<10000x64xf32, #tpu.memory_space<vmem_shared>> -> memref<10000x64xf32, #tpu.memory_space<vmem_shared>>
          tpu.wait_indirect_dma semaphore(%run_scoped3A_244 : memref<!tpu.dma_semaphore, #tpu.memory_space<semaphore_mem>>) src(%dma_wait3A_256 : memref<128x64xf32, #tpu.memory_space<vmem>>) dst(%dma_wait3A_262 : memref<10000x64xf32, #tpu.memory_space<vmem_shared>>)
          tpu.yield
        }) : () -> ()
        %run_scoped3A_238 = arith.constant 0 : i32
        %run_scoped3A_239 = arith.constant 1 : i32
        "tpu.region"() ({
          %run_scoped3A_244 = tpu.sem_alloc : memref<!tpu.dma_semaphore, #tpu.memory_space<semaphore_mem>>
          %dma_start3A_245 = arith.constant 128 : i32
          %dma_start3A_246 = arith.constant 0 : i32
          %dma_start3A_247 = tpu.memref_slice %arg14[%dma_start3A_245, %dma_start3A_246] : memref<512x64xf32, #tpu.memory_space<vmem>> -> memref<128x64xf32, #tpu.memory_space<vmem>>
          %dma_start3A_248 = arith.constant 0 : i32
          %dma_start3A_249 = tpu.memref_slice %arg12[%run_scoped3A_238, %run_scoped3A_239, %dma_start3A_248] : memref<2x4x128xi32, #tpu.memory_space<vmem>> -> memref<1x1x128xi32, #tpu.memory_space<vmem>>
          %dma_start3A_250 = tpu.memref_squeeze %dma_start3A_249 : memref<1x1x128xi32, #tpu.memory_space<vmem>> -> memref<128xi32, #tpu.memory_space<vmem>>
          %dma_start3A_251 = arith.constant 0 : i32
          %dma_start3A_252 = arith.constant 0 : i32
          %dma_start3A_253 = tpu.memref_slice %arg16[%dma_start3A_251, %dma_start3A_252] : memref<10000x64xf32, #tpu.memory_space<vmem_shared>> -> memref<10000x64xf32, #tpu.memory_space<vmem_shared>>
          tpu.enqueue_indirect_dma source(%dma_start3A_247 : memref<128x64xf32, #tpu.memory_space<vmem>>) target(%dma_start3A_253 : memref<10000x64xf32, #tpu.memory_space<vmem_shared>>) offsets(%dma_start3A_250 : memref<128xi32, #tpu.memory_space<vmem>>) semaphore(%run_scoped3A_244 : memref<!tpu.dma_semaphore, #tpu.memory_space<semaphore_mem>>) {add = true}
          %dma_wait3A_254 = arith.constant 128 : i32
          %dma_wait3A_255 = arith.constant 0 : i32
          %dma_wait3A_256 = tpu.memref_slice %arg14[%dma_wait3A_254, %dma_wait3A_255] : memref<512x64xf32, #tpu.memory_space<vmem>> -> memref<128x64xf32, #tpu.memory_space<vmem>>
          %dma_wait3A_257 = arith.constant 0 : i32
          %dma_wait3A_258 = tpu.memref_slice %arg12[%run_scoped3A_238, %run_scoped3A_239, %dma_wait3A_257] : memref<2x4x128xi32, #tpu.memory_space<vmem>> -> memref<1x1x128xi32, #tpu.memory_space<vmem>>
          %dma_wait3A_259 = tpu.memref_squeeze %dma_wait3A_258 : memref<1x1x128xi32, #tpu.memory_space<vmem>> -> memref<128xi32, #tpu.memory_space<vmem>>
          %dma_wait3A_260 = arith.constant 0 : i32
          %dma_wait3A_261 = arith.constant 0 : i32
          %dma_wait3A_262 = tpu.memref_slice %arg16[%dma_wait3A_260, %dma_wait3A_261] : memref<10000x64xf32, #tpu.memory_space<vmem_shared>> -> memref<10000x64xf32, #tpu.memory_space<vmem_shared>>
          tpu.wait_indirect_dma semaphore(%run_scoped3A_244 : memref<!tpu.dma_semaphore, #tpu.memory_space<semaphore_mem>>) src(%dma_wait3A_256 : memref<128x64xf32, #tpu.memory_space<vmem>>) dst(%dma_wait3A_262 : memref<10000x64xf32, #tpu.memory_space<vmem_shared>>)
          tpu.yield
        }) : () -> ()
        %run_scoped3A_240 = arith.constant 0 : i32
        %run_scoped3A_241 = arith.constant 2 : i32
        "tpu.region"() ({
          %run_scoped3A_244 = tpu.sem_alloc : memref<!tpu.dma_semaphore, #tpu.memory_space<semaphore_mem>>
          %dma_start3A_245 = arith.constant 256 : i32
          %dma_start3A_246 = arith.constant 0 : i32
          %dma_start3A_247 = tpu.memref_slice %arg14[%dma_start3A_245, %dma_start3A_246] : memref<512x64xf32, #tpu.memory_space<vmem>> -> memref<128x64xf32, #tpu.memory_space<vmem>>
          %dma_start3A_248 = arith.constant 0 : i32
          %dma_start3A_249 = tpu.memref_slice %arg12[%run_scoped3A_240, %run_scoped3A_241, %dma_start3A_248] : memref<2x4x128xi32, #tpu.memory_space<vmem>> -> memref<1x1x128xi32, #tpu.memory_space<vmem>>
          %dma_start3A_250 = tpu.memref_squeeze %dma_start3A_249 : memref<1x1x128xi32, #tpu.memory_space<vmem>> -> memref<128xi32, #tpu.memory_space<vmem>>
          %dma_start3A_251 = arith.constant 0 : i32
          %dma_start3A_252 = arith.constant 0 : i32
          %dma_start3A_253 = tpu.memref_slice %arg16[%dma_start3A_251, %dma_start3A_252] : memref<10000x64xf32, #tpu.memory_space<vmem_shared>> -> memref<10000x64xf32, #tpu.memory_space<vmem_shared>>
          tpu.enqueue_indirect_dma source(%dma_start3A_247 : memref<128x64xf32, #tpu.memory_space<vmem>>) target(%dma_start3A_253 : memref<10000x64xf32, #tpu.memory_space<vmem_shared>>) offsets(%dma_start3A_250 : memref<128xi32, #tpu.memory_space<vmem>>) semaphore(%run_scoped3A_244 : memref<!tpu.dma_semaphore, #tpu.memory_space<semaphore_mem>>) {add = true}
          %dma_wait3A_254 = arith.constant 256 : i32
          %dma_wait3A_255 = arith.constant 0 : i32
          %dma_wait3A_256 = tpu.memref_slice %arg14[%dma_wait3A_254, %dma_wait3A_255] : memref<512x64xf32, #tpu.memory_space<vmem>> -> memref<128x64xf32, #tpu.memory_space<vmem>>
          %dma_wait3A_257 = arith.constant 0 : i32
          %dma_wait3A_258 = tpu.memref_slice %arg12[%run_scoped3A_240, %run_scoped3A_241, %dma_wait3A_257] : memref<2x4x128xi32, #tpu.memory_space<vmem>> -> memref<1x1x128xi32, #tpu.memory_space<vmem>>
          %dma_wait3A_259 = tpu.memref_squeeze %dma_wait3A_258 : memref<1x1x128xi32, #tpu.memory_space<vmem>> -> memref<128xi32, #tpu.memory_space<vmem>>
          %dma_wait3A_260 = arith.constant 0 : i32
          %dma_wait3A_261 = arith.constant 0 : i32
          %dma_wait3A_262 = tpu.memref_slice %arg16[%dma_wait3A_260, %dma_wait3A_261] : memref<10000x64xf32, #tpu.memory_space<vmem_shared>> -> memref<10000x64xf32, #tpu.memory_space<vmem_shared>>
          tpu.wait_indirect_dma semaphore(%run_scoped3A_244 : memref<!tpu.dma_semaphore, #tpu.memory_space<semaphore_mem>>) src(%dma_wait3A_256 : memref<128x64xf32, #tpu.memory_space<vmem>>) dst(%dma_wait3A_262 : memref<10000x64xf32, #tpu.memory_space<vmem_shared>>)
          tpu.yield
        }) : () -> ()
        %run_scoped3A_242 = arith.constant 0 : i32
        %run_scoped3A_243 = arith.constant 3 : i32
        "tpu.region"() ({
          %run_scoped3A_244 = tpu.sem_alloc : memref<!tpu.dma_semaphore, #tpu.memory_space<semaphore_mem>>
          %dma_start3A_245 = arith.constant 384 : i32
          %dma_start3A_246 = arith.constant 0 : i32
          %dma_start3A_247 = tpu.memref_slice %arg14[%dma_start3A_245, %dma_start3A_246] : memref<512x64xf32, #tpu.memory_space<vmem>> -> memref<128x64xf32, #tpu.memory_space<vmem>>
          %dma_start3A_248 = arith.constant 0 : i32
          %dma_start3A_249 = tpu.memref_slice %arg12[%run_scoped3A_242, %run_scoped3A_243, %dma_start3A_248] : memref<2x4x128xi32, #tpu.memory_space<vmem>> -> memref<1x1x128xi32, #tpu.memory_space<vmem>>
          %dma_start3A_250 = tpu.memref_squeeze %dma_start3A_249 : memref<1x1x128xi32, #tpu.memory_space<vmem>> -> memref<128xi32, #tpu.memory_space<vmem>>
          %dma_start3A_251 = arith.constant 0 : i32
          %dma_start3A_252 = arith.constant 0 : i32
          %dma_start3A_253 = tpu.memref_slice %arg16[%dma_start3A_251, %dma_start3A_252] : memref<10000x64xf32, #tpu.memory_space<vmem_shared>> -> memref<10000x64xf32, #tpu.memory_space<vmem_shared>>
          tpu.enqueue_indirect_dma source(%dma_start3A_247 : memref<128x64xf32, #tpu.memory_space<vmem>>) target(%dma_start3A_253 : memref<10000x64xf32, #tpu.memory_space<vmem_shared>>) offsets(%dma_start3A_250 : memref<128xi32, #tpu.memory_space<vmem>>) semaphore(%run_scoped3A_244 : memref<!tpu.dma_semaphore, #tpu.memory_space<semaphore_mem>>) {add = true}
          %dma_wait3A_254 = arith.constant 384 : i32
          %dma_wait3A_255 = arith.constant 0 : i32
          %dma_wait3A_256 = tpu.memref_slice %arg14[%dma_wait3A_254, %dma_wait3A_255] : memref<512x64xf32, #tpu.memory_space<vmem>> -> memref<128x64xf32, #tpu.memory_space<vmem>>
          %dma_wait3A_257 = arith.constant 0 : i32
          %dma_wait3A_258 = tpu.memref_slice %arg12[%run_scoped3A_242, %run_scoped3A_243, %dma_wait3A_257] : memref<2x4x128xi32, #tpu.memory_space<vmem>> -> memref<1x1x128xi32, #tpu.memory_space<vmem>>
          %dma_wait3A_259 = tpu.memref_squeeze %dma_wait3A_258 : memref<1x1x128xi32, #tpu.memory_space<vmem>> -> memref<128xi32, #tpu.memory_space<vmem>>
          %dma_wait3A_260 = arith.constant 0 : i32
          %dma_wait3A_261 = arith.constant 0 : i32
          %dma_wait3A_262 = tpu.memref_slice %arg16[%dma_wait3A_260, %dma_wait3A_261] : memref<10000x64xf32, #tpu.memory_space<vmem_shared>> -> memref<10000x64xf32, #tpu.memory_space<vmem_shared>>
          tpu.wait_indirect_dma semaphore(%run_scoped3A_244 : memref<!tpu.dma_semaphore, #tpu.memory_space<semaphore_mem>>) src(%dma_wait3A_256 : memref<128x64xf32, #tpu.memory_space<vmem>>) dst(%dma_wait3A_262 : memref<10000x64xf32, #tpu.memory_space<vmem_shared>>)
          tpu.yield
        }) : () -> ()
      }
      %scan3A_54 = arith.constant 40 : i32
    } else {
    }
    %eq3A_31 = arith.constant 1 : i32
    %eq3A_32 = arith.cmpi eq, %arg0, %eq3A_31 : i32
    %convert_element_type3A_33 = arith.extui %eq3A_32 : i1 to i32
    %cond3A_34 = arith.constant 0 : i32
    %cond3A_35 = arith.cmpi ne, %convert_element_type3A_33, %cond3A_34 : i32
    scf.if %cond3A_35 {
      %scan3A_49 = arith.constant 0 : i32
      %scan3A_50 = arith.constant 0 : i32
      %scan3A_51 = arith.constant 40 : i32
      %scan3A_52 = arith.addi %scan3A_50, %scan3A_51 : i32
      %scan3A_53 = arith.constant 1 : i32
      scf.for %scan3A_55 = %scan3A_50 to %scan3A_52 step %scan3A_53  : i32 {
        %mul3A_56 = arith.constant 160 : i32
        %mul3A_57 = arith.muli %arg1, %mul3A_56 : i32
        %mul3A_58 = arith.constant 4 : i32
        %mul3A_59 = arith.muli %scan3A_55, %mul3A_58 : i32
        %add3A_60 = arith.addi %mul3A_57, %mul3A_59 : i32
        %dma_start3A = arith.constant 0 : i32
        %dma_start3A_61 = arith.constant 0 : i32
        %dma_start3A_62 = arith.constant 0 : i32
        %dma_start3A_63 = tpu.memref_slice %arg11[%dma_start3A, %dma_start3A_61, %dma_start3A_62] : memref<2x4x128xi32, #tpu.memory_space<vmem>> -> memref<1x4x128xi32, #tpu.memory_space<vmem>>
        %dma_start3A_64 = tpu.memref_squeeze %dma_start3A_63 : memref<1x4x128xi32, #tpu.memory_space<vmem>> -> memref<4x128xi32, #tpu.memory_space<vmem>>
        %dma_start3A_65 = arith.constant 0 : i32
        %dma_start3A_66 = tpu.memref_slice %arg7[%add3A_60, %dma_start3A_65] : memref<2560x128xi32, #tpu.memory_space<hbm>> -> memref<4x128xi32, #tpu.memory_space<hbm>>
        %dma_start3A_67 = arith.constant 0 : i32
        %dma_start3A_68 = arith.constant 0 : i32
        %dma_start3A_69 = tpu.memref_slice %arg11[%dma_start3A, %dma_start3A_67, %dma_start3A_68] : memref<2x4x128xi32, #tpu.memory_space<vmem>> -> memref<1x4x128xi32, #tpu.memory_space<vmem>>
        %dma_start3A_70 = tpu.memref_squeeze %dma_start3A_69 : memref<1x4x128xi32, #tpu.memory_space<vmem>> -> memref<4x128xi32, #tpu.memory_space<vmem>>
        %dma_start3A_71 = arith.constant 0 : i32
        %dma_start3A_72 = tpu.memref_slice %arg7[%add3A_60, %dma_start3A_71] : memref<2560x128xi32, #tpu.memory_space<hbm>> -> memref<4x128xi32, #tpu.memory_space<hbm>>
        tpu.enqueue_dma source(%dma_start3A_72 : memref<4x128xi32, #tpu.memory_space<hbm>>) target(%dma_start3A_70 : memref<4x128xi32, #tpu.memory_space<vmem>>) target_semaphore(%arg19 : memref<!tpu.dma_semaphore, #tpu.memory_space<semaphore_mem>>)
        %dma_start3A_73 = arith.constant 0 : i32
        %dma_start3A_74 = arith.constant 0 : i32
        %dma_start3A_75 = arith.constant 0 : i32
        %dma_start3A_76 = tpu.memref_slice %arg12[%dma_start3A_73, %dma_start3A_74, %dma_start3A_75] : memref<2x4x128xi32, #tpu.memory_space<vmem>> -> memref<1x4x128xi32, #tpu.memory_space<vmem>>
        %dma_start3A_77 = tpu.memref_squeeze %dma_start3A_76 : memref<1x4x128xi32, #tpu.memory_space<vmem>> -> memref<4x128xi32, #tpu.memory_space<vmem>>
        %dma_start3A_78 = arith.constant 0 : i32
        %dma_start3A_79 = tpu.memref_slice %arg8[%add3A_60, %dma_start3A_78] : memref<2560x128xi32, #tpu.memory_space<hbm>> -> memref<4x128xi32, #tpu.memory_space<hbm>>
        %dma_start3A_80 = arith.constant 0 : i32
        %dma_start3A_81 = arith.constant 0 : i32
        %dma_start3A_82 = tpu.memref_slice %arg12[%dma_start3A_73, %dma_start3A_80, %dma_start3A_81] : memref<2x4x128xi32, #tpu.memory_space<vmem>> -> memref<1x4x128xi32, #tpu.memory_space<vmem>>
        %dma_start3A_83 = tpu.memref_squeeze %dma_start3A_82 : memref<1x4x128xi32, #tpu.memory_space<vmem>> -> memref<4x128xi32, #tpu.memory_space<vmem>>
        %dma_start3A_84 = arith.constant 0 : i32
        %dma_start3A_85 = tpu.memref_slice %arg8[%add3A_60, %dma_start3A_84] : memref<2560x128xi32, #tpu.memory_space<hbm>> -> memref<4x128xi32, #tpu.memory_space<hbm>>
        tpu.enqueue_dma source(%dma_start3A_85 : memref<4x128xi32, #tpu.memory_space<hbm>>) target(%dma_start3A_83 : memref<4x128xi32, #tpu.memory_space<vmem>>) target_semaphore(%arg19 : memref<!tpu.dma_semaphore, #tpu.memory_space<semaphore_mem>>)
        %dma_start3A_86 = arith.constant 0 : i32
        %dma_start3A_87 = arith.constant 0 : i32
        %dma_start3A_88 = arith.constant 0 : i32
        %dma_start3A_89 = tpu.memref_slice %arg13[%dma_start3A_86, %dma_start3A_87, %dma_start3A_88] : memref<2x4x128xf32, #tpu.memory_space<vmem>> -> memref<1x4x128xf32, #tpu.memory_space<vmem>>
        %dma_start3A_90 = tpu.memref_squeeze %dma_start3A_89 : memref<1x4x128xf32, #tpu.memory_space<vmem>> -> memref<4x128xf32, #tpu.memory_space<vmem>>
        %dma_start3A_91 = arith.constant 0 : i32
        %dma_start3A_92 = tpu.memref_slice %arg9[%add3A_60, %dma_start3A_91] : memref<2560x128xf32, #tpu.memory_space<hbm>> -> memref<4x128xf32, #tpu.memory_space<hbm>>
        %dma_start3A_93 = arith.constant 0 : i32
        %dma_start3A_94 = arith.constant 0 : i32
        %dma_start3A_95 = tpu.memref_slice %arg13[%dma_start3A_86, %dma_start3A_93, %dma_start3A_94] : memref<2x4x128xf32, #tpu.memory_space<vmem>> -> memref<1x4x128xf32, #tpu.memory_space<vmem>>
        %dma_start3A_96 = tpu.memref_squeeze %dma_start3A_95 : memref<1x4x128xf32, #tpu.memory_space<vmem>> -> memref<4x128xf32, #tpu.memory_space<vmem>>
        %dma_start3A_97 = arith.constant 0 : i32
        %dma_start3A_98 = tpu.memref_slice %arg9[%add3A_60, %dma_start3A_97] : memref<2560x128xf32, #tpu.memory_space<hbm>> -> memref<4x128xf32, #tpu.memory_space<hbm>>
        tpu.enqueue_dma source(%dma_start3A_98 : memref<4x128xf32, #tpu.memory_space<hbm>>) target(%dma_start3A_96 : memref<4x128xf32, #tpu.memory_space<vmem>>) target_semaphore(%arg19 : memref<!tpu.dma_semaphore, #tpu.memory_space<semaphore_mem>>)
        %dma_wait3A = arith.constant 0 : i32
        %dma_wait3A_99 = arith.constant 0 : i32
        %dma_wait3A_100 = arith.constant 0 : i32
        %dma_wait3A_101 = tpu.memref_slice %arg11[%dma_wait3A, %dma_wait3A_99, %dma_wait3A_100] : memref<2x4x128xi32, #tpu.memory_space<vmem>> -> memref<1x4x128xi32, #tpu.memory_space<vmem>>
        %dma_wait3A_102 = tpu.memref_squeeze %dma_wait3A_101 : memref<1x4x128xi32, #tpu.memory_space<vmem>> -> memref<4x128xi32, #tpu.memory_space<vmem>>
        %dma_wait3A_103 = arith.constant 0 : i32
        %dma_wait3A_104 = arith.constant 0 : i32
        %dma_wait3A_105 = tpu.memref_slice %arg7[%dma_wait3A_103, %dma_wait3A_104] : memref<2560x128xi32, #tpu.memory_space<hbm>> -> memref<4x128xi32, #tpu.memory_space<hbm>>
        %dma_wait3A_106 = arith.constant 0 : i32
        %dma_wait3A_107 = arith.constant 0 : i32
        %dma_wait3A_108 = tpu.memref_slice %arg11[%dma_wait3A, %dma_wait3A_106, %dma_wait3A_107] : memref<2x4x128xi32, #tpu.memory_space<vmem>> -> memref<1x4x128xi32, #tpu.memory_space<vmem>>
        %dma_wait3A_109 = tpu.memref_squeeze %dma_wait3A_108 : memref<1x4x128xi32, #tpu.memory_space<vmem>> -> memref<4x128xi32, #tpu.memory_space<vmem>>
        %dma_wait3A_110 = arith.constant 0 : i32
        %dma_wait3A_111 = arith.constant 0 : i32
        %dma_wait3A_112 = tpu.memref_slice %arg7[%dma_wait3A_110, %dma_wait3A_111] : memref<2560x128xi32, #tpu.memory_space<hbm>> -> memref<4x128xi32, #tpu.memory_space<hbm>>
        tpu.wait_dma2 semaphore(%arg19 : memref<!tpu.dma_semaphore, #tpu.memory_space<semaphore_mem>>) src(%dma_wait3A_112 : memref<4x128xi32, #tpu.memory_space<hbm>>) dst(%dma_wait3A_109 : memref<4x128xi32, #tpu.memory_space<vmem>>)
        %dma_wait3A_113 = arith.constant 0 : i32
        %dma_wait3A_114 = arith.constant 0 : i32
        %dma_wait3A_115 = arith.constant 0 : i32
        %dma_wait3A_116 = tpu.memref_slice %arg12[%dma_wait3A_113, %dma_wait3A_114, %dma_wait3A_115] : memref<2x4x128xi32, #tpu.memory_space<vmem>> -> memref<1x4x128xi32, #tpu.memory_space<vmem>>
        %dma_wait3A_117 = tpu.memref_squeeze %dma_wait3A_116 : memref<1x4x128xi32, #tpu.memory_space<vmem>> -> memref<4x128xi32, #tpu.memory_space<vmem>>
        %dma_wait3A_118 = arith.constant 0 : i32
        %dma_wait3A_119 = arith.constant 0 : i32
        %dma_wait3A_120 = tpu.memref_slice %arg8[%dma_wait3A_118, %dma_wait3A_119] : memref<2560x128xi32, #tpu.memory_space<hbm>> -> memref<4x128xi32, #tpu.memory_space<hbm>>
        %dma_wait3A_121 = arith.constant 0 : i32
        %dma_wait3A_122 = arith.constant 0 : i32
        %dma_wait3A_123 = tpu.memref_slice %arg12[%dma_wait3A_113, %dma_wait3A_121, %dma_wait3A_122] : memref<2x4x128xi32, #tpu.memory_space<vmem>> -> memref<1x4x128xi32, #tpu.memory_space<vmem>>
        %dma_wait3A_124 = tpu.memref_squeeze %dma_wait3A_123 : memref<1x4x128xi32, #tpu.memory_space<vmem>> -> memref<4x128xi32, #tpu.memory_space<vmem>>
        %dma_wait3A_125 = arith.constant 0 : i32
        %dma_wait3A_126 = arith.constant 0 : i32
        %dma_wait3A_127 = tpu.memref_slice %arg8[%dma_wait3A_125, %dma_wait3A_126] : memref<2560x128xi32, #tpu.memory_space<hbm>> -> memref<4x128xi32, #tpu.memory_space<hbm>>
        tpu.wait_dma2 semaphore(%arg19 : memref<!tpu.dma_semaphore, #tpu.memory_space<semaphore_mem>>) src(%dma_wait3A_127 : memref<4x128xi32, #tpu.memory_space<hbm>>) dst(%dma_wait3A_124 : memref<4x128xi32, #tpu.memory_space<vmem>>)
        %dma_wait3A_128 = arith.constant 0 : i32
        %dma_wait3A_129 = arith.constant 0 : i32
        %dma_wait3A_130 = arith.constant 0 : i32
        %dma_wait3A_131 = tpu.memref_slice %arg13[%dma_wait3A_128, %dma_wait3A_129, %dma_wait3A_130] : memref<2x4x128xf32, #tpu.memory_space<vmem>> -> memref<1x4x128xf32, #tpu.memory_space<vmem>>
        %dma_wait3A_132 = tpu.memref_squeeze %dma_wait3A_131 : memref<1x4x128xf32, #tpu.memory_space<vmem>> -> memref<4x128xf32, #tpu.memory_space<vmem>>
        %dma_wait3A_133 = arith.constant 0 : i32
        %dma_wait3A_134 = arith.constant 0 : i32
        %dma_wait3A_135 = tpu.memref_slice %arg9[%dma_wait3A_133, %dma_wait3A_134] : memref<2560x128xf32, #tpu.memory_space<hbm>> -> memref<4x128xf32, #tpu.memory_space<hbm>>
        %dma_wait3A_136 = arith.constant 0 : i32
        %dma_wait3A_137 = arith.constant 0 : i32
        %dma_wait3A_138 = tpu.memref_slice %arg13[%dma_wait3A_128, %dma_wait3A_136, %dma_wait3A_137] : memref<2x4x128xf32, #tpu.memory_space<vmem>> -> memref<1x4x128xf32, #tpu.memory_space<vmem>>
        %dma_wait3A_139 = tpu.memref_squeeze %dma_wait3A_138 : memref<1x4x128xf32, #tpu.memory_space<vmem>> -> memref<4x128xf32, #tpu.memory_space<vmem>>
        %dma_wait3A_140 = arith.constant 0 : i32
        %dma_wait3A_141 = arith.constant 0 : i32
        %dma_wait3A_142 = tpu.memref_slice %arg9[%dma_wait3A_140, %dma_wait3A_141] : memref<2560x128xf32, #tpu.memory_space<hbm>> -> memref<4x128xf32, #tpu.memory_space<hbm>>
        tpu.wait_dma2 semaphore(%arg19 : memref<!tpu.dma_semaphore, #tpu.memory_space<semaphore_mem>>) src(%dma_wait3A_142 : memref<4x128xf32, #tpu.memory_space<hbm>>) dst(%dma_wait3A_139 : memref<4x128xf32, #tpu.memory_space<vmem>>)
        %dma_start3A_143 = arith.constant 0 : i32
        %dma_start3A_144 = arith.constant 0 : i32
        %dma_start3A_145 = arith.constant 0 : i32
        %dma_start3A_146 = arith.constant 0 : i32
        %dma_start3A_147 = tpu.memref_slice %arg14[%dma_start3A_145, %dma_start3A_146] : memref<512x64xf32, #tpu.memory_space<vmem>> -> memref<128x64xf32, #tpu.memory_space<vmem>>
        %dma_start3A_148 = arith.constant 0 : i32
        %dma_start3A_149 = tpu.memref_slice %arg11[%dma_start3A_143, %dma_start3A_144, %dma_start3A_148] : memref<2x4x128xi32, #tpu.memory_space<vmem>> -> memref<1x1x128xi32, #tpu.memory_space<vmem>>
        %dma_start3A_150 = tpu.memref_squeeze %dma_start3A_149 : memref<1x1x128xi32, #tpu.memory_space<vmem>> -> memref<128xi32, #tpu.memory_space<vmem>>
        %dma_start3A_151 = arith.constant 0 : i32
        %dma_start3A_152 = arith.constant 0 : i32
        %dma_start3A_153 = tpu.memref_slice %arg3[%dma_start3A_151, %dma_start3A_152] : memref<10000x64xf32, #tpu.memory_space<hbm>> -> memref<10000x64xf32, #tpu.memory_space<hbm>>
        tpu.enqueue_indirect_dma source(%dma_start3A_153 : memref<10000x64xf32, #tpu.memory_space<hbm>>) target(%dma_start3A_147 : memref<128x64xf32, #tpu.memory_space<vmem>>) offsets(%dma_start3A_150 : memref<128xi32, #tpu.memory_space<vmem>>) semaphore(%arg17 : memref<!tpu.dma_semaphore, #tpu.memory_space<semaphore_mem>>)
        %dma_start3A_154 = arith.constant 0 : i32
        %dma_start3A_155 = arith.constant 1 : i32
        %dma_start3A_156 = arith.constant 128 : i32
        %dma_start3A_157 = arith.constant 0 : i32
        %dma_start3A_158 = tpu.memref_slice %arg14[%dma_start3A_156, %dma_start3A_157] : memref<512x64xf32, #tpu.memory_space<vmem>> -> memref<128x64xf32, #tpu.memory_space<vmem>>
        %dma_start3A_159 = arith.constant 0 : i32
        %dma_start3A_160 = tpu.memref_slice %arg11[%dma_start3A_154, %dma_start3A_155, %dma_start3A_159] : memref<2x4x128xi32, #tpu.memory_space<vmem>> -> memref<1x1x128xi32, #tpu.memory_space<vmem>>
        %dma_start3A_161 = tpu.memref_squeeze %dma_start3A_160 : memref<1x1x128xi32, #tpu.memory_space<vmem>> -> memref<128xi32, #tpu.memory_space<vmem>>
        %dma_start3A_162 = arith.constant 0 : i32
        %dma_start3A_163 = arith.constant 0 : i32
        %dma_start3A_164 = tpu.memref_slice %arg3[%dma_start3A_162, %dma_start3A_163] : memref<10000x64xf32, #tpu.memory_space<hbm>> -> memref<10000x64xf32, #tpu.memory_space<hbm>>
        tpu.enqueue_indirect_dma source(%dma_start3A_164 : memref<10000x64xf32, #tpu.memory_space<hbm>>) target(%dma_start3A_158 : memref<128x64xf32, #tpu.memory_space<vmem>>) offsets(%dma_start3A_161 : memref<128xi32, #tpu.memory_space<vmem>>) semaphore(%arg17 : memref<!tpu.dma_semaphore, #tpu.memory_space<semaphore_mem>>)
        %dma_start3A_165 = arith.constant 0 : i32
        %dma_start3A_166 = arith.constant 2 : i32
        %dma_start3A_167 = arith.constant 256 : i32
        %dma_start3A_168 = arith.constant 0 : i32
        %dma_start3A_169 = tpu.memref_slice %arg14[%dma_start3A_167, %dma_start3A_168] : memref<512x64xf32, #tpu.memory_space<vmem>> -> memref<128x64xf32, #tpu.memory_space<vmem>>
        %dma_start3A_170 = arith.constant 0 : i32
        %dma_start3A_171 = tpu.memref_slice %arg11[%dma_start3A_165, %dma_start3A_166, %dma_start3A_170] : memref<2x4x128xi32, #tpu.memory_space<vmem>> -> memref<1x1x128xi32, #tpu.memory_space<vmem>>
        %dma_start3A_172 = tpu.memref_squeeze %dma_start3A_171 : memref<1x1x128xi32, #tpu.memory_space<vmem>> -> memref<128xi32, #tpu.memory_space<vmem>>
        %dma_start3A_173 = arith.constant 0 : i32
        %dma_start3A_174 = arith.constant 0 : i32
        %dma_start3A_175 = tpu.memref_slice %arg3[%dma_start3A_173, %dma_start3A_174] : memref<10000x64xf32, #tpu.memory_space<hbm>> -> memref<10000x64xf32, #tpu.memory_space<hbm>>
        tpu.enqueue_indirect_dma source(%dma_start3A_175 : memref<10000x64xf32, #tpu.memory_space<hbm>>) target(%dma_start3A_169 : memref<128x64xf32, #tpu.memory_space<vmem>>) offsets(%dma_start3A_172 : memref<128xi32, #tpu.memory_space<vmem>>) semaphore(%arg17 : memref<!tpu.dma_semaphore, #tpu.memory_space<semaphore_mem>>)
        %dma_start3A_176 = arith.constant 0 : i32
        %dma_start3A_177 = arith.constant 3 : i32
        %dma_start3A_178 = arith.constant 384 : i32
        %dma_start3A_179 = arith.constant 0 : i32
        %dma_start3A_180 = tpu.memref_slice %arg14[%dma_start3A_178, %dma_start3A_179] : memref<512x64xf32, #tpu.memory_space<vmem>> -> memref<128x64xf32, #tpu.memory_space<vmem>>
        %dma_start3A_181 = arith.constant 0 : i32
        %dma_start3A_182 = tpu.memref_slice %arg11[%dma_start3A_176, %dma_start3A_177, %dma_start3A_181] : memref<2x4x128xi32, #tpu.memory_space<vmem>> -> memref<1x1x128xi32, #tpu.memory_space<vmem>>
        %dma_start3A_183 = tpu.memref_squeeze %dma_start3A_182 : memref<1x1x128xi32, #tpu.memory_space<vmem>> -> memref<128xi32, #tpu.memory_space<vmem>>
        %dma_start3A_184 = arith.constant 0 : i32
        %dma_start3A_185 = arith.constant 0 : i32
        %dma_start3A_186 = tpu.memref_slice %arg3[%dma_start3A_184, %dma_start3A_185] : memref<10000x64xf32, #tpu.memory_space<hbm>> -> memref<10000x64xf32, #tpu.memory_space<hbm>>
        tpu.enqueue_indirect_dma source(%dma_start3A_186 : memref<10000x64xf32, #tpu.memory_space<hbm>>) target(%dma_start3A_180 : memref<128x64xf32, #tpu.memory_space<vmem>>) offsets(%dma_start3A_183 : memref<128xi32, #tpu.memory_space<vmem>>) semaphore(%arg17 : memref<!tpu.dma_semaphore, #tpu.memory_space<semaphore_mem>>)
        %dma_wait3A_187 = arith.constant 0 : i32
        %dma_wait3A_188 = arith.constant 0 : i32
        %dma_wait3A_189 = tpu.memref_slice %arg14[%dma_wait3A_187, %dma_wait3A_188] : memref<512x64xf32, #tpu.memory_space<vmem>> -> memref<128x64xf32, #tpu.memory_space<vmem>>
        %dma_wait3A_190 = arith.constant 0 : i32
        %dma_wait3A_191 = arith.constant 0 : i32
        %dma_wait3A_192 = tpu.memref_slice %arg3[%dma_wait3A_190, %dma_wait3A_191] : memref<10000x64xf32, #tpu.memory_space<hbm>> -> memref<128x64xf32, #tpu.memory_space<hbm>>
        %dma_wait3A_193 = arith.constant 0 : i32
        %dma_wait3A_194 = arith.constant 0 : i32
        %dma_wait3A_195 = tpu.memref_slice %arg14[%dma_wait3A_193, %dma_wait3A_194] : memref<512x64xf32, #tpu.memory_space<vmem>> -> memref<128x64xf32, #tpu.memory_space<vmem>>
        %dma_wait3A_196 = arith.constant 0 : i32
        %dma_wait3A_197 = arith.constant 0 : i32
        %dma_wait3A_198 = tpu.memref_slice %arg3[%dma_wait3A_196, %dma_wait3A_197] : memref<10000x64xf32, #tpu.memory_space<hbm>> -> memref<128x64xf32, #tpu.memory_space<hbm>>
        tpu.wait_dma2 semaphore(%arg17 : memref<!tpu.dma_semaphore, #tpu.memory_space<semaphore_mem>>) src(%dma_wait3A_198 : memref<128x64xf32, #tpu.memory_space<hbm>>) dst(%dma_wait3A_195 : memref<128x64xf32, #tpu.memory_space<vmem>>)
        %dma_wait3A_199 = arith.constant 128 : i32
        %dma_wait3A_200 = arith.constant 0 : i32
        %dma_wait3A_201 = tpu.memref_slice %arg14[%dma_wait3A_199, %dma_wait3A_200] : memref<512x64xf32, #tpu.memory_space<vmem>> -> memref<128x64xf32, #tpu.memory_space<vmem>>
        %dma_wait3A_202 = arith.constant 0 : i32
        %dma_wait3A_203 = arith.constant 0 : i32
        %dma_wait3A_204 = tpu.memref_slice %arg3[%dma_wait3A_202, %dma_wait3A_203] : memref<10000x64xf32, #tpu.memory_space<hbm>> -> memref<128x64xf32, #tpu.memory_space<hbm>>
        %dma_wait3A_205 = arith.constant 128 : i32
        %dma_wait3A_206 = arith.constant 0 : i32
        %dma_wait3A_207 = tpu.memref_slice %arg14[%dma_wait3A_205, %dma_wait3A_206] : memref<512x64xf32, #tpu.memory_space<vmem>> -> memref<128x64xf32, #tpu.memory_space<vmem>>
        %dma_wait3A_208 = arith.constant 0 : i32
        %dma_wait3A_209 = arith.constant 0 : i32
        %dma_wait3A_210 = tpu.memref_slice %arg3[%dma_wait3A_208, %dma_wait3A_209] : memref<10000x64xf32, #tpu.memory_space<hbm>> -> memref<128x64xf32, #tpu.memory_space<hbm>>
        tpu.wait_dma2 semaphore(%arg17 : memref<!tpu.dma_semaphore, #tpu.memory_space<semaphore_mem>>) src(%dma_wait3A_210 : memref<128x64xf32, #tpu.memory_space<hbm>>) dst(%dma_wait3A_207 : memref<128x64xf32, #tpu.memory_space<vmem>>)
        %dma_wait3A_211 = arith.constant 256 : i32
        %dma_wait3A_212 = arith.constant 0 : i32
        %dma_wait3A_213 = tpu.memref_slice %arg14[%dma_wait3A_211, %dma_wait3A_212] : memref<512x64xf32, #tpu.memory_space<vmem>> -> memref<128x64xf32, #tpu.memory_space<vmem>>
        %dma_wait3A_214 = arith.constant 0 : i32
        %dma_wait3A_215 = arith.constant 0 : i32
        %dma_wait3A_216 = tpu.memref_slice %arg3[%dma_wait3A_214, %dma_wait3A_215] : memref<10000x64xf32, #tpu.memory_space<hbm>> -> memref<128x64xf32, #tpu.memory_space<hbm>>
        %dma_wait3A_217 = arith.constant 256 : i32
        %dma_wait3A_218 = arith.constant 0 : i32
        %dma_wait3A_219 = tpu.memref_slice %arg14[%dma_wait3A_217, %dma_wait3A_218] : memref<512x64xf32, #tpu.memory_space<vmem>> -> memref<128x64xf32, #tpu.memory_space<vmem>>
        %dma_wait3A_220 = arith.constant 0 : i32
        %dma_wait3A_221 = arith.constant 0 : i32
        %dma_wait3A_222 = tpu.memref_slice %arg3[%dma_wait3A_220, %dma_wait3A_221] : memref<10000x64xf32, #tpu.memory_space<hbm>> -> memref<128x64xf32, #tpu.memory_space<hbm>>
        tpu.wait_dma2 semaphore(%arg17 : memref<!tpu.dma_semaphore, #tpu.memory_space<semaphore_mem>>) src(%dma_wait3A_222 : memref<128x64xf32, #tpu.memory_space<hbm>>) dst(%dma_wait3A_219 : memref<128x64xf32, #tpu.memory_space<vmem>>)
        %dma_wait3A_223 = arith.constant 384 : i32
        %dma_wait3A_224 = arith.constant 0 : i32
        %dma_wait3A_225 = tpu.memref_slice %arg14[%dma_wait3A_223, %dma_wait3A_224] : memref<512x64xf32, #tpu.memory_space<vmem>> -> memref<128x64xf32, #tpu.memory_space<vmem>>
        %dma_wait3A_226 = arith.constant 0 : i32
        %dma_wait3A_227 = arith.constant 0 : i32
        %dma_wait3A_228 = tpu.memref_slice %arg3[%dma_wait3A_226, %dma_wait3A_227] : memref<10000x64xf32, #tpu.memory_space<hbm>> -> memref<128x64xf32, #tpu.memory_space<hbm>>
        %dma_wait3A_229 = arith.constant 384 : i32
        %dma_wait3A_230 = arith.constant 0 : i32
        %dma_wait3A_231 = tpu.memref_slice %arg14[%dma_wait3A_229, %dma_wait3A_230] : memref<512x64xf32, #tpu.memory_space<vmem>> -> memref<128x64xf32, #tpu.memory_space<vmem>>
        %dma_wait3A_232 = arith.constant 0 : i32
        %dma_wait3A_233 = arith.constant 0 : i32
        %dma_wait3A_234 = tpu.memref_slice %arg3[%dma_wait3A_232, %dma_wait3A_233] : memref<10000x64xf32, #tpu.memory_space<hbm>> -> memref<128x64xf32, #tpu.memory_space<hbm>>
        tpu.wait_dma2 semaphore(%arg17 : memref<!tpu.dma_semaphore, #tpu.memory_space<semaphore_mem>>) src(%dma_wait3A_234 : memref<128x64xf32, #tpu.memory_space<hbm>>) dst(%dma_wait3A_231 : memref<128x64xf32, #tpu.memory_space<vmem>>)
        %parallel_loop3A = arith.constant 0 : i32
        %parallel_loop3A_235 = arith.constant 512 : i32
        %parallel_loop3A_236 = arith.constant 1 : i32
        scf.for %parallel_loop3A_244 = %parallel_loop3A to %parallel_loop3A_235 step %parallel_loop3A_236  : i32 {
          %parallel_loop3A_245 = arith.constant 7 : i32
          %parallel_loop3A_246 = arith.shrui %parallel_loop3A_244, %parallel_loop3A_245 : i32
          %parallel_loop3A_247 = arith.constant 127 : i32
          %parallel_loop3A_248 = arith.andi %parallel_loop3A_244, %parallel_loop3A_247 : i32
          %parallel_loop3A_249 = arith.constant 0 : i32
          %parallel_loop3A_250 = vector.broadcast %parallel_loop3A_249 : i32 to vector<16xi32>
          %parallel_loop3A_251 = vector.broadcast %parallel_loop3A_246 : i32 to vector<16xi32>
          %parallel_loop3A_252 = vector.broadcast %parallel_loop3A_248 : i32 to vector<16xi32>
          %parallel_loop3A_253 = tpu.vector_load_idx %arg13[%parallel_loop3A_250, %parallel_loop3A_251, %parallel_loop3A_252] : memref<2x4x128xf32, #tpu.memory_space<vmem>>[vector<16xi32>, vector<16xi32>, vector<16xi32>], vector<16xf32>,
          %parallel_loop3A_254 = arith.index_cast %parallel_loop3A_244 : i32 to index
          %parallel_loop3A_255 = arith.constant 0 : index
          %parallel_loop3A_256 = tpu.vector_load %arg14[%parallel_loop3A_254, %parallel_loop3A_255] {strides = array<i32>} : memref<512x64xf32, #tpu.memory_space<vmem>>, vector<16xf32>,
          %parallel_loop3A_257 = arith.mulf %parallel_loop3A_256, %parallel_loop3A_253 : vector<16xf32>
          %parallel_loop3A_258 = arith.index_cast %parallel_loop3A_244 : i32 to index
          %parallel_loop3A_259 = arith.constant 0 : index
          %parallel_loop3A_260 = tpu.vector_load %arg14[%parallel_loop3A_258, %parallel_loop3A_259] {strides = array<i32>} : memref<512x64xf32, #tpu.memory_space<vmem>>, vector<16xf32>,
          tpu.vector_store %arg14[%parallel_loop3A_258, %parallel_loop3A_259], %parallel_loop3A_257 {strides = array<i32>} : memref<512x64xf32, #tpu.memory_space<vmem>>, vector<16xf32>,
          %parallel_loop3A_261 = arith.index_cast %parallel_loop3A_244 : i32 to index
          %parallel_loop3A_262 = arith.constant 16 : index
          %parallel_loop3A_263 = tpu.vector_load %arg14[%parallel_loop3A_261, %parallel_loop3A_262] {strides = array<i32>} : memref<512x64xf32, #tpu.memory_space<vmem>>, vector<16xf32>,
          %parallel_loop3A_264 = arith.mulf %parallel_loop3A_263, %parallel_loop3A_253 : vector<16xf32>
          %parallel_loop3A_265 = arith.index_cast %parallel_loop3A_244 : i32 to index
          %parallel_loop3A_266 = arith.constant 16 : index
          %parallel_loop3A_267 = tpu.vector_load %arg14[%parallel_loop3A_265, %parallel_loop3A_266] {strides = array<i32>} : memref<512x64xf32, #tpu.memory_space<vmem>>, vector<16xf32>,
          tpu.vector_store %arg14[%parallel_loop3A_265, %parallel_loop3A_266], %parallel_loop3A_264 {strides = array<i32>} : memref<512x64xf32, #tpu.memory_space<vmem>>, vector<16xf32>,
          %parallel_loop3A_268 = arith.index_cast %parallel_loop3A_244 : i32 to index
          %parallel_loop3A_269 = arith.constant 32 : index
          %parallel_loop3A_270 = tpu.vector_load %arg14[%parallel_loop3A_268, %parallel_loop3A_269] {strides = array<i32>} : memref<512x64xf32, #tpu.memory_space<vmem>>, vector<16xf32>,
          %parallel_loop3A_271 = arith.mulf %parallel_loop3A_270, %parallel_loop3A_253 : vector<16xf32>
          %parallel_loop3A_272 = arith.index_cast %parallel_loop3A_244 : i32 to index
          %parallel_loop3A_273 = arith.constant 32 : index
          %parallel_loop3A_274 = tpu.vector_load %arg14[%parallel_loop3A_272, %parallel_loop3A_273] {strides = array<i32>} : memref<512x64xf32, #tpu.memory_space<vmem>>, vector<16xf32>,
          tpu.vector_store %arg14[%parallel_loop3A_272, %parallel_loop3A_273], %parallel_loop3A_271 {strides = array<i32>} : memref<512x64xf32, #tpu.memory_space<vmem>>, vector<16xf32>,
          %parallel_loop3A_275 = arith.index_cast %parallel_loop3A_244 : i32 to index
          %parallel_loop3A_276 = arith.constant 48 : index
          %parallel_loop3A_277 = tpu.vector_load %arg14[%parallel_loop3A_275, %parallel_loop3A_276] {strides = array<i32>} : memref<512x64xf32, #tpu.memory_space<vmem>>, vector<16xf32>,
          %parallel_loop3A_278 = arith.mulf %parallel_loop3A_277, %parallel_loop3A_253 : vector<16xf32>
          %parallel_loop3A_279 = arith.index_cast %parallel_loop3A_244 : i32 to index
          %parallel_loop3A_280 = arith.constant 48 : index
          %parallel_loop3A_281 = tpu.vector_load %arg14[%parallel_loop3A_279, %parallel_loop3A_280] {strides = array<i32>} : memref<512x64xf32, #tpu.memory_space<vmem>>, vector<16xf32>,
          tpu.vector_store %arg14[%parallel_loop3A_279, %parallel_loop3A_280], %parallel_loop3A_278 {strides = array<i32>} : memref<512x64xf32, #tpu.memory_space<vmem>>, vector<16xf32>,
        } {sc.loop_unroll_factor = 4 : i64, sc.parallel_access}
        %run_scoped3A = arith.constant 0 : i32
        %run_scoped3A_237 = arith.constant 0 : i32
        "tpu.region"() ({
          %run_scoped3A_244 = tpu.sem_alloc : memref<!tpu.dma_semaphore, #tpu.memory_space<semaphore_mem>>
          %dma_start3A_245 = arith.constant 0 : i32
          %dma_start3A_246 = arith.constant 0 : i32
          %dma_start3A_247 = tpu.memref_slice %arg14[%dma_start3A_245, %dma_start3A_246] : memref<512x64xf32, #tpu.memory_space<vmem>> -> memref<128x64xf32, #tpu.memory_space<vmem>>
          %dma_start3A_248 = arith.constant 0 : i32
          %dma_start3A_249 = tpu.memref_slice %arg12[%run_scoped3A, %run_scoped3A_237, %dma_start3A_248] : memref<2x4x128xi32, #tpu.memory_space<vmem>> -> memref<1x1x128xi32, #tpu.memory_space<vmem>>
          %dma_start3A_250 = tpu.memref_squeeze %dma_start3A_249 : memref<1x1x128xi32, #tpu.memory_space<vmem>> -> memref<128xi32, #tpu.memory_space<vmem>>
          %dma_start3A_251 = arith.constant 0 : i32
          %dma_start3A_252 = arith.constant 0 : i32
          %dma_start3A_253 = tpu.memref_slice %arg16[%dma_start3A_251, %dma_start3A_252] : memref<10000x64xf32, #tpu.memory_space<vmem_shared>> -> memref<10000x64xf32, #tpu.memory_space<vmem_shared>>
          tpu.enqueue_indirect_dma source(%dma_start3A_247 : memref<128x64xf32, #tpu.memory_space<vmem>>) target(%dma_start3A_253 : memref<10000x64xf32, #tpu.memory_space<vmem_shared>>) offsets(%dma_start3A_250 : memref<128xi32, #tpu.memory_space<vmem>>) semaphore(%run_scoped3A_244 : memref<!tpu.dma_semaphore, #tpu.memory_space<semaphore_mem>>) {add = true}
          %dma_wait3A_254 = arith.constant 0 : i32
          %dma_wait3A_255 = arith.constant 0 : i32
          %dma_wait3A_256 = tpu.memref_slice %arg14[%dma_wait3A_254, %dma_wait3A_255] : memref<512x64xf32, #tpu.memory_space<vmem>> -> memref<128x64xf32, #tpu.memory_space<vmem>>
          %dma_wait3A_257 = arith.constant 0 : i32
          %dma_wait3A_258 = tpu.memref_slice %arg12[%run_scoped3A, %run_scoped3A_237, %dma_wait3A_257] : memref<2x4x128xi32, #tpu.memory_space<vmem>> -> memref<1x1x128xi32, #tpu.memory_space<vmem>>
          %dma_wait3A_259 = tpu.memref_squeeze %dma_wait3A_258 : memref<1x1x128xi32, #tpu.memory_space<vmem>> -> memref<128xi32, #tpu.memory_space<vmem>>
          %dma_wait3A_260 = arith.constant 0 : i32
          %dma_wait3A_261 = arith.constant 0 : i32
          %dma_wait3A_262 = tpu.memref_slice %arg16[%dma_wait3A_260, %dma_wait3A_261] : memref<10000x64xf32, #tpu.memory_space<vmem_shared>> -> memref<10000x64xf32, #tpu.memory_space<vmem_shared>>
          tpu.wait_indirect_dma semaphore(%run_scoped3A_244 : memref<!tpu.dma_semaphore, #tpu.memory_space<semaphore_mem>>) src(%dma_wait3A_256 : memref<128x64xf32, #tpu.memory_space<vmem>>) dst(%dma_wait3A_262 : memref<10000x64xf32, #tpu.memory_space<vmem_shared>>)
          tpu.yield
        }) : () -> ()
        %run_scoped3A_238 = arith.constant 0 : i32
        %run_scoped3A_239 = arith.constant 1 : i32
        "tpu.region"() ({
          %run_scoped3A_244 = tpu.sem_alloc : memref<!tpu.dma_semaphore, #tpu.memory_space<semaphore_mem>>
          %dma_start3A_245 = arith.constant 128 : i32
          %dma_start3A_246 = arith.constant 0 : i32
          %dma_start3A_247 = tpu.memref_slice %arg14[%dma_start3A_245, %dma_start3A_246] : memref<512x64xf32, #tpu.memory_space<vmem>> -> memref<128x64xf32, #tpu.memory_space<vmem>>
          %dma_start3A_248 = arith.constant 0 : i32
          %dma_start3A_249 = tpu.memref_slice %arg12[%run_scoped3A_238, %run_scoped3A_239, %dma_start3A_248] : memref<2x4x128xi32, #tpu.memory_space<vmem>> -> memref<1x1x128xi32, #tpu.memory_space<vmem>>
          %dma_start3A_250 = tpu.memref_squeeze %dma_start3A_249 : memref<1x1x128xi32, #tpu.memory_space<vmem>> -> memref<128xi32, #tpu.memory_space<vmem>>
          %dma_start3A_251 = arith.constant 0 : i32
          %dma_start3A_252 = arith.constant 0 : i32
          %dma_start3A_253 = tpu.memref_slice %arg16[%dma_start3A_251, %dma_start3A_252] : memref<10000x64xf32, #tpu.memory_space<vmem_shared>> -> memref<10000x64xf32, #tpu.memory_space<vmem_shared>>
          tpu.enqueue_indirect_dma source(%dma_start3A_247 : memref<128x64xf32, #tpu.memory_space<vmem>>) target(%dma_start3A_253 : memref<10000x64xf32, #tpu.memory_space<vmem_shared>>) offsets(%dma_start3A_250 : memref<128xi32, #tpu.memory_space<vmem>>) semaphore(%run_scoped3A_244 : memref<!tpu.dma_semaphore, #tpu.memory_space<semaphore_mem>>) {add = true}
          %dma_wait3A_254 = arith.constant 128 : i32
          %dma_wait3A_255 = arith.constant 0 : i32
          %dma_wait3A_256 = tpu.memref_slice %arg14[%dma_wait3A_254, %dma_wait3A_255] : memref<512x64xf32, #tpu.memory_space<vmem>> -> memref<128x64xf32, #tpu.memory_space<vmem>>
          %dma_wait3A_257 = arith.constant 0 : i32
          %dma_wait3A_258 = tpu.memref_slice %arg12[%run_scoped3A_238, %run_scoped3A_239, %dma_wait3A_257] : memref<2x4x128xi32, #tpu.memory_space<vmem>> -> memref<1x1x128xi32, #tpu.memory_space<vmem>>
          %dma_wait3A_259 = tpu.memref_squeeze %dma_wait3A_258 : memref<1x1x128xi32, #tpu.memory_space<vmem>> -> memref<128xi32, #tpu.memory_space<vmem>>
          %dma_wait3A_260 = arith.constant 0 : i32
          %dma_wait3A_261 = arith.constant 0 : i32
          %dma_wait3A_262 = tpu.memref_slice %arg16[%dma_wait3A_260, %dma_wait3A_261] : memref<10000x64xf32, #tpu.memory_space<vmem_shared>> -> memref<10000x64xf32, #tpu.memory_space<vmem_shared>>
          tpu.wait_indirect_dma semaphore(%run_scoped3A_244 : memref<!tpu.dma_semaphore, #tpu.memory_space<semaphore_mem>>) src(%dma_wait3A_256 : memref<128x64xf32, #tpu.memory_space<vmem>>) dst(%dma_wait3A_262 : memref<10000x64xf32, #tpu.memory_space<vmem_shared>>)
          tpu.yield
        }) : () -> ()
        %run_scoped3A_240 = arith.constant 0 : i32
        %run_scoped3A_241 = arith.constant 2 : i32
        "tpu.region"() ({
          %run_scoped3A_244 = tpu.sem_alloc : memref<!tpu.dma_semaphore, #tpu.memory_space<semaphore_mem>>
          %dma_start3A_245 = arith.constant 256 : i32
          %dma_start3A_246 = arith.constant 0 : i32
          %dma_start3A_247 = tpu.memref_slice %arg14[%dma_start3A_245, %dma_start3A_246] : memref<512x64xf32, #tpu.memory_space<vmem>> -> memref<128x64xf32, #tpu.memory_space<vmem>>
          %dma_start3A_248 = arith.constant 0 : i32
          %dma_start3A_249 = tpu.memref_slice %arg12[%run_scoped3A_240, %run_scoped3A_241, %dma_start3A_248] : memref<2x4x128xi32, #tpu.memory_space<vmem>> -> memref<1x1x128xi32, #tpu.memory_space<vmem>>
          %dma_start3A_250 = tpu.memref_squeeze %dma_start3A_249 : memref<1x1x128xi32, #tpu.memory_space<vmem>> -> memref<128xi32, #tpu.memory_space<vmem>>
          %dma_start3A_251 = arith.constant 0 : i32
          %dma_start3A_252 = arith.constant 0 : i32
          %dma_start3A_253 = tpu.memref_slice %arg16[%dma_start3A_251, %dma_start3A_252] : memref<10000x64xf32, #tpu.memory_space<vmem_shared>> -> memref<10000x64xf32, #tpu.memory_space<vmem_shared>>
          tpu.enqueue_indirect_dma source(%dma_start3A_247 : memref<128x64xf32, #tpu.memory_space<vmem>>) target(%dma_start3A_253 : memref<10000x64xf32, #tpu.memory_space<vmem_shared>>) offsets(%dma_start3A_250 : memref<128xi32, #tpu.memory_space<vmem>>) semaphore(%run_scoped3A_244 : memref<!tpu.dma_semaphore, #tpu.memory_space<semaphore_mem>>) {add = true}
          %dma_wait3A_254 = arith.constant 256 : i32
          %dma_wait3A_255 = arith.constant 0 : i32
          %dma_wait3A_256 = tpu.memref_slice %arg14[%dma_wait3A_254, %dma_wait3A_255] : memref<512x64xf32, #tpu.memory_space<vmem>> -> memref<128x64xf32, #tpu.memory_space<vmem>>
          %dma_wait3A_257 = arith.constant 0 : i32
          %dma_wait3A_258 = tpu.memref_slice %arg12[%run_scoped3A_240, %run_scoped3A_241, %dma_wait3A_257] : memref<2x4x128xi32, #tpu.memory_space<vmem>> -> memref<1x1x128xi32, #tpu.memory_space<vmem>>
          %dma_wait3A_259 = tpu.memref_squeeze %dma_wait3A_258 : memref<1x1x128xi32, #tpu.memory_space<vmem>> -> memref<128xi32, #tpu.memory_space<vmem>>
          %dma_wait3A_260 = arith.constant 0 : i32
          %dma_wait3A_261 = arith.constant 0 : i32
          %dma_wait3A_262 = tpu.memref_slice %arg16[%dma_wait3A_260, %dma_wait3A_261] : memref<10000x64xf32, #tpu.memory_space<vmem_shared>> -> memref<10000x64xf32, #tpu.memory_space<vmem_shared>>
          tpu.wait_indirect_dma semaphore(%run_scoped3A_244 : memref<!tpu.dma_semaphore, #tpu.memory_space<semaphore_mem>>) src(%dma_wait3A_256 : memref<128x64xf32, #tpu.memory_space<vmem>>) dst(%dma_wait3A_262 : memref<10000x64xf32, #tpu.memory_space<vmem_shared>>)
          tpu.yield
        }) : () -> ()
        %run_scoped3A_242 = arith.constant 0 : i32
        %run_scoped3A_243 = arith.constant 3 : i32
        "tpu.region"() ({
          %run_scoped3A_244 = tpu.sem_alloc : memref<!tpu.dma_semaphore, #tpu.memory_space<semaphore_mem>>
          %dma_start3A_245 = arith.constant 384 : i32
          %dma_start3A_246 = arith.constant 0 : i32
          %dma_start3A_247 = tpu.memref_slice %arg14[%dma_start3A_245, %dma_start3A_246] : memref<512x64xf32, #tpu.memory_space<vmem>> -> memref<128x64xf32, #tpu.memory_space<vmem>>
          %dma_start3A_248 = arith.constant 0 : i32
          %dma_start3A_249 = tpu.memref_slice %arg12[%run_scoped3A_242, %run_scoped3A_243, %dma_start3A_248] : memref<2x4x128xi32, #tpu.memory_space<vmem>> -> memref<1x1x128xi32, #tpu.memory_space<vmem>>
          %dma_start3A_250 = tpu.memref_squeeze %dma_start3A_249 : memref<1x1x128xi32, #tpu.memory_space<vmem>> -> memref<128xi32, #tpu.memory_space<vmem>>
          %dma_start3A_251 = arith.constant 0 : i32
          %dma_start3A_252 = arith.constant 0 : i32
          %dma_start3A_253 = tpu.memref_slice %arg16[%dma_start3A_251, %dma_start3A_252] : memref<10000x64xf32, #tpu.memory_space<vmem_shared>> -> memref<10000x64xf32, #tpu.memory_space<vmem_shared>>
          tpu.enqueue_indirect_dma source(%dma_start3A_247 : memref<128x64xf32, #tpu.memory_space<vmem>>) target(%dma_start3A_253 : memref<10000x64xf32, #tpu.memory_space<vmem_shared>>) offsets(%dma_start3A_250 : memref<128xi32, #tpu.memory_space<vmem>>) semaphore(%run_scoped3A_244 : memref<!tpu.dma_semaphore, #tpu.memory_space<semaphore_mem>>) {add = true}
          %dma_wait3A_254 = arith.constant 384 : i32
          %dma_wait3A_255 = arith.constant 0 : i32
          %dma_wait3A_256 = tpu.memref_slice %arg14[%dma_wait3A_254, %dma_wait3A_255] : memref<512x64xf32, #tpu.memory_space<vmem>> -> memref<128x64xf32, #tpu.memory_space<vmem>>
          %dma_wait3A_257 = arith.constant 0 : i32
          %dma_wait3A_258 = tpu.memref_slice %arg12[%run_scoped3A_242, %run_scoped3A_243, %dma_wait3A_257] : memref<2x4x128xi32, #tpu.memory_space<vmem>> -> memref<1x1x128xi32, #tpu.memory_space<vmem>>
          %dma_wait3A_259 = tpu.memref_squeeze %dma_wait3A_258 : memref<1x1x128xi32, #tpu.memory_space<vmem>> -> memref<128xi32, #tpu.memory_space<vmem>>
          %dma_wait3A_260 = arith.constant 0 : i32
          %dma_wait3A_261 = arith.constant 0 : i32
          %dma_wait3A_262 = tpu.memref_slice %arg16[%dma_wait3A_260, %dma_wait3A_261] : memref<10000x64xf32, #tpu.memory_space<vmem_shared>> -> memref<10000x64xf32, #tpu.memory_space<vmem_shared>>
          tpu.wait_indirect_dma semaphore(%run_scoped3A_244 : memref<!tpu.dma_semaphore, #tpu.memory_space<semaphore_mem>>) src(%dma_wait3A_256 : memref<128x64xf32, #tpu.memory_space<vmem>>) dst(%dma_wait3A_262 : memref<10000x64xf32, #tpu.memory_space<vmem_shared>>)
          tpu.yield
        }) : () -> ()
      }
      %scan3A_54 = arith.constant 40 : i32
    } else {
    }
    %barrier3A_36 = arith.constant 0 : index
    tpu.barrier barrier_id(%barrier3A_36)
    %mul3A_37 = arith.constant 624 : i32
    %mul3A_38 = arith.muli %arg1, %mul3A_37 : i32
    %mul3A_39 = arith.constant 10000 : i32
    %mul3A_40 = arith.muli %arg0, %mul3A_39 : i32
    %mul3A_41 = arith.constant 624 : i32
    %mul3A_42 = arith.muli %arg1, %mul3A_41 : i32
    %add3A_43 = arith.addi %mul3A_40, %mul3A_42 : i32
    "tpu.region"() ({
      %run_scoped3A = tpu.sem_alloc : memref<!tpu.dma_semaphore, #tpu.memory_space<semaphore_mem>>
      %dma_start3A = arith.constant 0 : i32
      %dma_start3A_49 = tpu.memref_slice %arg10[%add3A_43, %dma_start3A] : memref<20000x64xf32, #tpu.memory_space<hbm>> -> memref<624x64xf32, #tpu.memory_space<hbm>>
      %dma_start3A_50 = arith.constant 0 : i32
      %dma_start3A_51 = tpu.memref_slice %arg16[%mul3A_38, %dma_start3A_50] : memref<10000x64xf32, #tpu.memory_space<vmem_shared>> -> memref<624x64xf32, #tpu.memory_space<vmem_shared>>
      tpu.enqueue_dma source(%dma_start3A_51 : memref<624x64xf32, #tpu.memory_space<vmem_shared>>) target(%dma_start3A_49 : memref<624x64xf32, #tpu.memory_space<hbm>>) target_semaphore(%run_scoped3A : memref<!tpu.dma_semaphore, #tpu.memory_space<semaphore_mem>>)
      %dma_wait3A = arith.constant 0 : i32
      %dma_wait3A_52 = tpu.memref_slice %arg10[%add3A_43, %dma_wait3A] : memref<20000x64xf32, #tpu.memory_space<hbm>> -> memref<624x64xf32, #tpu.memory_space<hbm>>
      %dma_wait3A_53 = arith.constant 0 : i32
      %dma_wait3A_54 = tpu.memref_slice %arg16[%mul3A_38, %dma_wait3A_53] : memref<10000x64xf32, #tpu.memory_space<vmem_shared>> -> memref<624x64xf32, #tpu.memory_space<vmem_shared>>
      tpu.wait_dma2 semaphore(%run_scoped3A : memref<!tpu.dma_semaphore, #tpu.memory_space<semaphore_mem>>) src(%dma_wait3A_54 : memref<624x64xf32, #tpu.memory_space<vmem_shared>>) dst(%dma_wait3A_52 : memref<624x64xf32, #tpu.memory_space<hbm>>)
      tpu.yield
    }) : () -> ()
    %eq3A_44 = arith.constant 15 : i32
    %eq3A_45 = arith.cmpi eq, %arg1, %eq3A_44 : i32
    %convert_element_type3A_46 = arith.extui %eq3A_45 : i1 to i32
    %cond3A_47 = arith.constant 0 : i32
    %cond3A_48 = arith.cmpi ne, %convert_element_type3A_46, %cond3A_47 : i32
    scf.if %cond3A_48 {
      %mul3A_49 = arith.constant 10000 : i32
      %mul3A_50 = arith.muli %arg0, %mul3A_49 : i32
      %add3A_51 = arith.constant 9984 : i32
      %add3A_52 = arith.addi %mul3A_50, %add3A_51 : i32
      "tpu.region"() ({
        %run_scoped3A = tpu.sem_alloc : memref<!tpu.dma_semaphore, #tpu.memory_space<semaphore_mem>>
        %dma_start3A = arith.constant 0 : i32
        %dma_start3A_53 = tpu.memref_slice %arg10[%add3A_52, %dma_start3A] : memref<20000x64xf32, #tpu.memory_space<hbm>> -> memref<16x64xf32, #tpu.memory_space<hbm>>
        %dma_start3A_54 = arith.constant 9984 : i32
        %dma_start3A_55 = arith.constant 0 : i32
        %dma_start3A_56 = tpu.memref_slice %arg16[%dma_start3A_54, %dma_start3A_55] : memref<10000x64xf32, #tpu.memory_space<vmem_shared>> -> memref<16x64xf32, #tpu.memory_space<vmem_shared>>
        tpu.enqueue_dma source(%dma_start3A_56 : memref<16x64xf32, #tpu.memory_space<vmem_shared>>) target(%dma_start3A_53 : memref<16x64xf32, #tpu.memory_space<hbm>>) target_semaphore(%run_scoped3A : memref<!tpu.dma_semaphore, #tpu.memory_space<semaphore_mem>>)
        %dma_wait3A = arith.constant 0 : i32
        %dma_wait3A_57 = tpu.memref_slice %arg10[%add3A_52, %dma_wait3A] : memref<20000x64xf32, #tpu.memory_space<hbm>> -> memref<16x64xf32, #tpu.memory_space<hbm>>
        %dma_wait3A_58 = arith.constant 9984 : i32
        %dma_wait3A_59 = arith.constant 0 : i32
        %dma_wait3A_60 = tpu.memref_slice %arg16[%dma_wait3A_58, %dma_wait3A_59] : memref<10000x64xf32, #tpu.memory_space<vmem_shared>> -> memref<16x64xf32, #tpu.memory_space<vmem_shared>>
        tpu.wait_dma2 semaphore(%run_scoped3A : memref<!tpu.dma_semaphore, #tpu.memory_space<semaphore_mem>>) src(%dma_wait3A_60 : memref<16x64xf32, #tpu.memory_space<vmem_shared>>) dst(%dma_wait3A_57 : memref<16x64xf32, #tpu.memory_space<hbm>>)
        tpu.yield
      }) : () -> ()
    } else {
    }
    return
  }
}

module attributes {stable_mosaic.version = 14 : i64} {
  func.func @_mm_body(%arg0: i32, %arg1: memref<1000x128xf32, #tpu.memory_space<vmem>>, %arg2: memref<128x128xf32, #tpu.memory_space<vmem>>, %arg3: memref<1000x64xf32, #tpu.memory_space<vmem>>, %arg4: memref<1000x64xf32, #tpu.memory_space<vmem>>) attributes {dimension_semantics = [#tpu.dimension_semantics<arbitrary>], iteration_bounds = array<i64: 10>, scalar_prefetch = 0 : i64, scratch_operands = 0 : i64, tpu.core_type = #tpu.core_type<tc>, window_params = [{transform_indices = @transform_0, window_bounds = array<i64: 1000, 128>}, {pipeline_mode = #tpu.pipeline_mode<synchronous>, transform_indices = @transform_1, window_bounds = array<i64: 128, 128>}, {transform_indices = @transform_2, window_bounds = array<i64: 1000, 64>}, {transform_indices = @transform_3, window_bounds = array<i64: 1000, 64>}]} {
    %get3A = arith.constant 0 : index
    %get3A_0 = arith.constant 0 : index
    %get3A_1 = vector.load %arg1[%get3A, %get3A_0] : memref<1000x128xf32, #tpu.memory_space<vmem>>, vector<1000x128xf32>
    %get3A_2 = arith.constant 0 : index
    %get3A_3 = arith.constant 0 : index
    %get3A_4 = vector.load %arg2[%get3A_2, %get3A_3] : memref<128x128xf32, #tpu.memory_space<vmem>>, vector<128x128xf32>
    %dot_general3A = arith.constant dense<0.000000e+00> : vector<1000x128xf32>
    %dot_general3A_5 = tpu.matmul %get3A_1, %get3A_4, %dot_general3A {dimension_numbers = #tpu.dot_dimension_numbers<[1], [0], [0], [1], [0, 0, 1, 1], [], []>, transpose_lhs_hint = false} : vector<1000x128xf32>, vector<128x128xf32>, vector<1000x128xf32> -> vector<1000x128xf32>
    %slice3A = vector.extract_strided_slice %dot_general3A_5 {offsets = [0, 0], sizes = [1000, 64], strides = [1, 1]} : vector<1000x128xf32> to vector<1000x64xf32>
    %swap3A = arith.constant 0 : index
    %swap3A_6 = arith.constant 0 : index
    %swap3A_7 = vector.load %arg3[%swap3A, %swap3A_6] : memref<1000x64xf32, #tpu.memory_space<vmem>>, vector<1000x64xf32>
    tpu.vector_store %arg3[%swap3A, %swap3A_6], %slice3A {strides = array<i32>} : memref<1000x64xf32, #tpu.memory_space<vmem>>, vector<1000x64xf32>,
    %slice3A_8 = vector.extract_strided_slice %dot_general3A_5 {offsets = [0, 64], sizes = [1000, 64], strides = [1, 1]} : vector<1000x128xf32> to vector<1000x64xf32>
    %swap3A_9 = arith.constant 0 : index
    %swap3A_10 = arith.constant 0 : index
    %swap3A_11 = vector.load %arg4[%swap3A_9, %swap3A_10] : memref<1000x64xf32, #tpu.memory_space<vmem>>, vector<1000x64xf32>
    tpu.vector_store %arg4[%swap3A_9, %swap3A_10], %slice3A_8 {strides = array<i32>} : memref<1000x64xf32, #tpu.memory_space<vmem>>, vector<1000x64xf32>,
    return
  }
  func.func @transform_0(%arg0: i32) -> (i32, i32) {
    %c0_i32 = arith.constant 0 : i32
    %c0_i32_0 = arith.constant 0 : i32
    return %arg0, %c0_i32 : i32, i32
  }
  func.func @transform_1(%arg0: i32) -> (i32, i32) {
    %c0_i32 = arith.constant 0 : i32
    %c0_i32_0 = arith.constant 0 : i32
    %c0_i32_1 = arith.constant 0 : i32
    return %c0_i32, %c0_i32_0 : i32, i32
  }
  func.func @transform_2(%arg0: i32) -> (i32, i32) {
    %c0_i32 = arith.constant 0 : i32
    %c0_i32_0 = arith.constant 0 : i32
    return %arg0, %c0_i32 : i32, i32
  }
  func.func @transform_3(%arg0: i32) -> (i32, i32) {
    %c0_i32 = arith.constant 0 : i32
    %c0_i32_0 = arith.constant 0 : i32
    return %arg0, %c0_i32 : i32, i32
  }
}

module attributes {stable_mosaic.version = 14 : i64} {
  func.func @_combine_body(%arg0: i32, %arg1: memref<1000x128xf32, #tpu.memory_space<vmem>>, %arg2: memref<128x64xf32, #tpu.memory_space<vmem>>, %arg3: memref<1000x64xf32, #tpu.memory_space<vmem>>, %arg4: memref<1000x64xf32, #tpu.memory_space<vmem>>, %arg5: memref<8x64xf32, #tpu.memory_space<vmem>>, %arg6: memref<1000x64xf32, #tpu.memory_space<vmem>>) attributes {dimension_semantics = [#tpu.dimension_semantics<arbitrary>], iteration_bounds = array<i64: 10>, scalar_prefetch = 0 : i64, scratch_operands = 0 : i64, tpu.core_type = #tpu.core_type<tc>, window_params = [{transform_indices = @transform_0, window_bounds = array<i64: 1000, 128>}, {pipeline_mode = #tpu.pipeline_mode<synchronous>, transform_indices = @transform_1, window_bounds = array<i64: 128, 64>}, {transform_indices = @transform_2, window_bounds = array<i64: 1000, 64>}, {transform_indices = @transform_3, window_bounds = array<i64: 1000, 64>}, {pipeline_mode = #tpu.pipeline_mode<synchronous>, transform_indices = @transform_4, window_bounds = array<i64: 8, 64>}, {transform_indices = @transform_5, window_bounds = array<i64: 1000, 64>}]} {
    %get3A = arith.constant 0 : index
    %get3A_0 = arith.constant 0 : index
    %get3A_1 = vector.load %arg1[%get3A, %get3A_0] : memref<1000x128xf32, #tpu.memory_space<vmem>>, vector<1000x128xf32>
    %get3A_2 = arith.constant 0 : index
    %get3A_3 = arith.constant 0 : index
    %get3A_4 = vector.load %arg2[%get3A_2, %get3A_3] : memref<128x64xf32, #tpu.memory_space<vmem>>, vector<128x64xf32>
    %dot_general3A = arith.constant dense<0.000000e+00> : vector<1000x64xf32>
    %dot_general3A_5 = tpu.matmul %get3A_1, %get3A_4, %dot_general3A {dimension_numbers = #tpu.dot_dimension_numbers<[1], [0], [0], [1], [0, 0, 1, 1], [], []>, transpose_lhs_hint = false} : vector<1000x128xf32>, vector<128x64xf32>, vector<1000x64xf32> -> vector<1000x64xf32>
    %get3A_6 = arith.constant 0 : index
    %get3A_7 = arith.constant 0 : index
    %get3A_8 = vector.load %arg3[%get3A_6, %get3A_7] : memref<1000x64xf32, #tpu.memory_space<vmem>>, vector<1000x64xf32>
    %add3A = arith.addf %dot_general3A_5, %get3A_8 : vector<1000x64xf32>
    %get3A_9 = arith.constant 0 : index
    %get3A_10 = arith.constant 0 : index
    %get3A_11 = vector.load %arg4[%get3A_9, %get3A_10] : memref<1000x64xf32, #tpu.memory_space<vmem>>, vector<1000x64xf32>
    %add3A_12 = arith.addf %add3A, %get3A_11 : vector<1000x64xf32>
    %get3A_13 = arith.constant 0 : index
    %get3A_14 = arith.constant 0 : index
    %get3A_15 = vector.load %arg5[%get3A_13, %get3A_14] : memref<8x64xf32, #tpu.memory_space<vmem>>, vector<1x64xf32>
    %add3A_16 = vector.broadcast %get3A_15 : vector<1x64xf32> to vector<1000x64xf32>
    %add3A_17 = arith.addf %add3A_12, %add3A_16 : vector<1000x64xf32>
    %swap3A = arith.constant 0 : index
    %swap3A_18 = arith.constant 0 : index
    %swap3A_19 = vector.load %arg6[%swap3A, %swap3A_18] : memref<1000x64xf32, #tpu.memory_space<vmem>>, vector<1000x64xf32>
    tpu.vector_store %arg6[%swap3A, %swap3A_18], %add3A_17 {strides = array<i32>} : memref<1000x64xf32, #tpu.memory_space<vmem>>, vector<1000x64xf32>,
    return
  }
  func.func @transform_0(%arg0: i32) -> (i32, i32) {
    %c0_i32 = arith.constant 0 : i32
    %c0_i32_0 = arith.constant 0 : i32
    return %arg0, %c0_i32 : i32, i32
  }
  func.func @transform_1(%arg0: i32) -> (i32, i32) {
    %c0_i32 = arith.constant 0 : i32
    %c0_i32_0 = arith.constant 0 : i32
    %c0_i32_1 = arith.constant 0 : i32
    return %c0_i32, %c0_i32_0 : i32, i32
  }
  func.func @transform_2(%arg0: i32) -> (i32, i32) {
    %c0_i32 = arith.constant 0 : i32
    %c0_i32_0 = arith.constant 0 : i32
    return %arg0, %c0_i32 : i32, i32
  }
  func.func @transform_3(%arg0: i32) -> (i32, i32) {
    %add3A = arith.constant 10 : i32
    %add3A_0 = arith.addi %arg0, %add3A : i32
    %c0_i32 = arith.constant 0 : i32
    %c0_i32_1 = arith.constant 0 : i32
    return %add3A_0, %c0_i32 : i32, i32
  }
  func.func @transform_4(%arg0: i32) -> (i32, i32) {
    %c0_i32 = arith.constant 0 : i32
    %c0_i32_0 = arith.constant 0 : i32
    %c0_i32_1 = arith.constant 0 : i32
    return %c0_i32, %c0_i32_0 : i32, i32
  }
  func.func @transform_5(%arg0: i32) -> (i32, i32) {
    %c0_i32 = arith.constant 0 : i32
    %c0_i32_0 = arith.constant 0 : i32
    return %arg0, %c0_i32 : i32, i32
  }
}

</mosaic_0001>

<sc_bundles>
// kernel: kernel.5.cloned.1.call-start
scs
__scs_entry_jumppad:
0x0: {  	(pc) =	sbr.rel $0x88, $3  }
0x1: {  	(tag) =	ssettag $0x0;
	lr =	simm.s32 $0x1  }
0x2: {  	[smem:$0x3F94] =	sst lr;
	_ =	strace $0xD0000000  }
0x3: {  	_ = 	snop  }
0x4: {  	_ = 	snop  }
0x5: {  	_ = 	snop  }
0x6: {  	_ = 	snop  }
0x7: {  	_ = 	snop  }
__scs_overlays_trampoline_lowered:
0x8: {  	[smem:$0x3FA3] =	sst s0  }
0x9: {  	[smem:$0x3FA4] =	sst s1  }
0xa: {  	[smem:$0x3FA5] =	sst s2  }
0xb: {  	[smem:$0x3FA6] =	sst s3  }
0xc: {  	[smem:$0x3FA7] =	sst s4  }
0xd: {  	[smem:$0x3FA8] =	sst s5  }
0xe: {  	[smem:$0x3FA9] =	sst s6  }
0xf: {  	[smem:$0x3FAA] =	sst s7  }
0x10: {  	[smem:$0x3FAB] =	sst s8  }
0x11: {  	[smem:$0x3FAC] =	sst s9;
	s0 =	simm.s32 @!p0 $0x0  }
0x12: {  	s1 =	sld [smem:$0x3F92];
	s0 =	simm.s32 @p0 $0x1  }
0x13: {  	[smem:$0x3FAD] =	sst s0;
	s0 =	simm.s32 @!p1 $0x0  }
0x14: {  	s2 =	sld [smem:$0x3F91];
	s0 =	simm.s32 @p1 $0x1  }
0x15: {  	[smem:$0x3FAE] =	sst s0;
	s0 =	simm.s32 @!p2 $0x0  }
0x16: {  	s3 =	sld [smem:$0x3FDB];
	s0 =	simm.s32 @p2 $0x1  }
0x17: {  	s4 =	simm.s32 $0x1BF5;
	[smem:$0x3FB0] =	sst s0  }
0x18: {  	s0 =	sld [smem:$0x3F93];
	_ =	swait.ge [sflag:s4], $0x0  }
0x19: {  	s7 =	sld [smem:$0x3F94]  }
0x1a: {  	s8 =	sadd.s32 $0xFFFFE003, lr  }
0x1b: {  	s9 =	sadd.s32 $0xFFFFFEF7, lr;
	s5 =	simm.s32 $0xFFFFFFFF;
	p2 =	slt.u32 s8, $0xFFFFF086  }
0x1c: {  	p1 =	slt.u32 s9, $0xF7A;
	s5 =	simm.s32 @!p2 $0x0  }
0x1d: {  	s5 =	simm.s32 @p1 $0x1;
	p0 =	seq.s32 s7, s2  }
0x1e: {  	s7 =	smul.u32 @!p0 $0xF7A, s2;
	p2 =	seq.s32 @!p0 s5, $0x0  }
0x1f: {  	s9 =	smul.u32 $0xF7A, s1;
	s8 =	simm.s32 @!p0 $0x1BF5;
	p2 =	por !p2, p0  }
0x20: {  	[sflag:s8] =	ssyncset.s32 @!p0 $0xFFFFF086;
	s6 =	sadd.s32 @!p0 s3, s7;
	s7 =	simm.s32 @!p0 $0x108  }
0x21: {  	s3 =	sadd.s32 s3, s9;
	s6 =	sadd.s32 @!p0 $0x88, s6;
	s7 =	simm.s32 @p2 $0x1082  }
0x22: {  	[simem:s7], [sflag:s8] =	dma.local @!p0 [hbm:s6], $0xF7A  }
0x23: {  	s9 =	sor.u32 $0xD0000000, s2;
	s6 =	simm.s32 $0x108;
	_ =	swait.ge @!p0 [sflag:s8], $0x0  }
0x24: {  	s3 =	sadd.s32 $0x88, s3;
	s6 =	simm.s32 @!p1 $0x1082;
	[sflag:s4] =	ssyncset.s32 $0xFFFFF086  }
0x25: {  	[simem:s6], [sflag:s4] =	dma.local [hbm:s3], $0xF7A  }
0x26: {  	[smem:$0x3F94] =	sst s1;
	(tag) =	ssettag s2;
	_ =	strace s9  }
0x27: {  	s1 =	sld [smem:$0x3FA4]  }
0x28: {  	s2 =	sld [smem:$0x3FA5]  }
0x29: {  	s4 =	sld [smem:$0x3FA7]  }
0x2a: {  	p0 =	seq.s32 s5, $0x0;
	s5 =	sld [smem:$0x3FA8]  }
0x2b: {  	s6 =	sld [smem:$0x3FA9]  }
0x2c: {  	s7 =	sld [smem:$0x3FAA]  }
0x2d: {  	s3 =	simm.s32 $0x108;
	s8 =	sld [smem:$0x3FAB]  }
0x2e: {  	s3 =	simm.s32 @!p0 $0x1082;
	s9 =	sld [smem:$0x3FAC]  }
0x2f: {  	lr =	sadd.s32 s0, s3;
	s0 =	sld [smem:$0x3FA3]  }
0x30: {  	s3 =	sld [smem:$0x3FA6]  }
0x31: {  	[smem:$0x3FAF] =	sst s10  }
0x32: {  	s10 =	sld [smem:$0x3FAD];
	_ =	sdelay $0x3  }
0x33: {  	p0 =	seq.s32 s10, $0x1;
	s10 =	sld [smem:$0x3FAF];
	_ =	sdelay $0x3  }
0x34: {  	[smem:$0x3FAF] =	sst s10  }
0x35: {  	s10 =	sld [smem:$0x3FAE];
	_ =	sdelay $0x3  }
0x36: {  	p1 =	seq.s32 s10, $0x1;
	s10 =	sld [smem:$0x3FAF];
	_ =	sdelay $0x3  }
0x37: {  	[smem:$0x3FAF] =	sst s10  }
0x38: {  	s10 =	sld [smem:$0x3FB0]  }
0x39: {  	_ = 	snop;
	(pc) =	sbr.ind lr, $3  }
0x3a: {  	_ = 	snop  }
0x3b: {  	_ = 	snop  }
0x3c: {  	p2 =	seq.s32 s10, $0x1;
	s10 =	sld [smem:$0x3FAF]  }
0x3d: {  	_ =	shalt  }
0x3e: {  	_ =	shalt  }
0x3f: {  	_ =	shalt  }
0x40: {  	_ =	shalt  }
0x41: {  	_ =	shalt  }
0x42: {  	_ =	shalt  }
0x43: {  	_ =	shalt  }
0x44: {  	_ =	shalt  }
0x45: {  	_ =	shalt  }
0x46: {  	_ =	shalt  }
0x47: {  	_ =	shalt  }
0x48: {  	_ =	shalt  }
0x49: {  	_ =	shalt  }
0x4a: {  	_ =	shalt  }
0x4b: {  	_ =	shalt  }
0x4c: {  	_ =	shalt  }
0x4d: {  	_ =	shalt  }
0x4e: {  	_ =	shalt  }
0x4f: {  	_ =	shalt  }
0x50: {  	_ =	shalt  }
0x51: {  	_ =	shalt  }
0x52: {  	_ =	shalt  }
0x53: {  	_ =	shalt  }
0x54: {  	_ =	shalt  }
0x55: {  	_ =	shalt  }
0x56: {  	_ =	shalt  }
0x57: {  	_ =	shalt  }
0x58: {  	_ =	shalt  }
0x59: {  	_ =	shalt  }
0x5a: {  	_ =	shalt  }
0x5b: {  	_ =	shalt  }
0x5c: {  	_ =	shalt  }
0x5d: {  	_ =	shalt  }
0x5e: {  	_ =	shalt  }
0x5f: {  	_ =	shalt  }
0x60: {  	_ =	shalt  }
0x61: {  	_ =	shalt  }
0x62: {  	_ =	shalt  }
0x63: {  	_ =	shalt  }
0x64: {  	_ =	shalt  }
0x65: {  	_ =	shalt  }
0x66: {  	_ =	shalt  }
0x67: {  	_ =	shalt  }
0x68: {  	_ =	shalt  }
0x69: {  	_ =	shalt  }
0x6a: {  	_ =	shalt  }
0x6b: {  	_ =	shalt  }
0x6c: {  	_ =	shalt  }
0x6d: {  	_ =	shalt  }
0x6e: {  	_ =	shalt  }
0x6f: {  	_ =	shalt  }
0x70: {  	_ =	shalt  }
0x71: {  	_ =	shalt  }
0x72: {  	_ =	shalt  }
0x73: {  	_ =	shalt  }
0x74: {  	_ =	shalt  }
0x75: {  	_ =	shalt  }
0x76: {  	_ =	shalt  }
0x77: {  	_ =	shalt  }
0x78: {  	_ =	shalt  }
0x79: {  	_ =	shalt  }
0x7a: {  	_ =	shalt  }
0x7b: {  	_ =	shalt  }
0x7c: {  	_ =	shalt  }
0x7d: {  	_ =	shalt  }
0x7e: {  	_ =	shalt  }
0x7f: {  	_ =	shalt  }
0x80: {  	_ =	shalt  }
0x81: {  	_ =	shalt  }
0x82: {  	_ =	shalt  }
0x83: {  	_ =	shalt  }
0x84: {  	_ =	shalt  }
0x85: {  	_ =	shalt  }
0x86: {  	_ =	shalt  }
0x87: {  	_ =	shalt  }
.Lfunc_end0:
.L_simem_size_0:
called_computation_lowered:
.L_overlay_start_0:
0x88: {  	s2 =	sld [smem:$0x3FD9]  }
0x89: {  	s3 =	sld [smem:$0x3FFE];
	_ =	sdelay $0x1  }
0x8a: {  	s1 =	srdreg.scid  }
0x8b: {  	s0 =	sand.u32 $0x1, s1  }
0x8c: {  	s17 =	sshll.u32 s0, $0xA;
	s2 =	sadd.s32 s3, s2  }
0x8d: {  	s2 =	sadd.s32 s2, s17  }
0x8e: {  	[smem:$0x3FBB] =	sst s2  }
0x8f: {  	_ = 	snop  }
0x90: {  	s2 =	sld [smem:$0x3FD0];
	(tm) =	ssettm $0x1  }
0x91: {  	s18 =	sld [smem:$0x3FFB];
	_ =	sdelay $0x3  }
0x92: {  	_ =	strace s18  }
0x93: {  	s3 =	sld [smem:$0x3FFC];
	_ =	sdelay $0x3  }
0x94: {  	_ =	strace s3  }
0x95: {  	s3 =	sld [smem:$0x3FFD];
	_ =	sdelay $0x3  }
0x96: {  	_ =	strace s3  }
0x97: {  	_ =	strace $0x8FFFFFFF  }
0x98: {  	s19 =	sld [smem:$0x3FDB];
	_ =	sdelay $0x1  }
0x99: {  	s4 =	simm.s32 $_scs_section_size  }
0x9a: {  	s5 =	simm.s32 $_size__tile_overlayer_lowered;
	s6 =	simm.s32 $_tile_overlayer_lowered  }
0x9b: {  	s22 =	simm.s32 $0x1BFF;
	s21 =	sshll.u32 s6, $0x1;
	s3 =	sadd.s32 s4, s19  }
0x9c: {  	s7 =	simm.s32 $0x0;
	s20 =	sshll.u32 s5, $0x1;
	s5 =	sadd.s32 s21, s3  }
0x9d: {  	[timem:s7], [sflag:s22] =	dma.local [hbm:s5], s20  }
0x9e: {  	_ =	swait.ge [sflag:s22], s20  }
0x9f: {  	s4 =	ssub.s32 $0x0, s20;
	[sflag:s22] =	ssyncset.done $0x0  }
0xa0: {  	[sflag:s22] =	ssyncadd.s32 s4;
	_ =	sdelay $0x1  }
0xa1: {  	s23 =	simm.s32 $0x1B8B  }
0xa2: {  	_ =	swait.ge [sflag:s23], $0x1  }
0xa3: {  	[sflag:s23] =	ssyncset.done $0x0  }
0xa4: {  	s25 =	simm.s32 $0x1B8E;
	s24 =	sld [smem:$0x3FFE];
	[sflag:s23] =	ssyncadd.s32 $0xFFFFFFFF  }
0xa5: {  	s26 =	simm.s32 $execute0_lowered;
	[smem:$0x3FD2] =	sst s25  }
0xa6: {  	s5 =	sshll.u32 s26, $0x1;
	_ =	strace $0x80000046;
	[dreg:$0x1] =	wrdreg $0xFFFFFFFF  }
0xa7: {  	s28 =	simm.s32 $_size_execute0_lowered;
	s3 =	sadd.s32 s3, s5;
	[dreg:$0x0] =	wrdreg $0x0  }
0xa8: {  	s5 =	sshll.u32 s28, $0x1;
	[dreg:$0x2] =	wrdreg s3  }
0xa9: {  	[dreg:$0x3] =	wrdreg s5  }
0xaa: {  	[dreg:$0x4] =	wrdreg $0xC0  }
0xab: {  	_ =	task [dreg:s7], $0x5FFFF  }
0xac: {  	[dreg:$0x1] =	wrdreg $0xFFFFFFFF  }
0xad: {  	[dreg:$0x0] =	wrdreg $0x60  }
0xae: {  	[dreg:$0x2] =	wrdreg s2  }
0xaf: {  	[dreg:$0x3] =	wrdreg s24  }
0xb0: {  	[dreg:$0x4] =	wrdreg $0x8C000  }
0xb1: {  	[dreg:$0x5] =	wrdreg $0x9  }
0xb2: {  	_ =	task.clear_ibuf [dreg:s7], $0x6FFFF;
	_ =	strace $0x90000046  }
0xb3: {  	s29 =	simm.s32 $0x9;
	_ =	strace $0x80000048  }
0xb4: {  	_ =	swait.ge [sflag:s29], $0x1  }
0xb5: {  	[sflag:s29] =	ssyncadd.s32 $0xFFFFFFFF  }
0xb6: {  	_ =	strace $0x90000048  }
0xb7: {  	_ =	sfence  }
0xb8: {  	s30 =	sld [smem:$0x0];
	_ =	sdelay $0x2  }
0xb9: {  	s31 =	sshll.u32 s1, $0xD;
	s1 =	sshrl.u32 s1, $0x2  }
0xba: {  	s3 =	sand.u32 $0x4000, s31;
	s1 =	sadd.s32 s1, s30  }
0xbb: {  	s0 =	sor.u32 s3, s0;
	s1 =	sshll.u32 s1, $0x11  }
0xbc: {  	s0 =	sor.u32 s1, s0  }
0xbd: {  	s0 =	sadd.s32 $0x8F2B, s0  }
0xbe: {  	[sflag:s0] =	ssyncadd.remote.s32 $0x1  }
0xbf: {  	_ =	sfence.sel $0xFFFF  }
0xc0: {  	[dreg:$0x0] =	wrdreg $0xFFFFFFFF;
	(pc) =	sbr.abs _section_cstart, $3  }
0xc1: {  	[dreg:$0x1] =	wrdreg $0xFFFFFFFF  }
0xc2: {  	_ =	task.clear_ibuf [dreg:s7], $0x2FFFF;
	_ =	strace $0x9FFFFFFF  }
0xc3: {  	(tm) =	ssettm $0x7FFFFFFF  }
tec
execute0_lowered:
.L_overlay_start_1:
0x0: {  	(tag) =	ssettag $0x1  }
0x1: {  	s1 =	rddreg [dreg:$0x0]  }
0x2: {  	s0 =	rddreg [dreg:$0x1]  }
0x3: {  	s2 =	rddreg [dreg:$0x2];
	s7 =	simm.s32 $0x0  }
0x4: {  	s17 =	srdreg.scid;
	s14 =	stileid.u32;
	s28 =	simm.s32 $0x80  }
0x5: {  	s29 =	simm.s32 $0x2C00;
	s30 =	simm.s32 $0x100;
	s31 =	simm.s32 $0x4C00  }
0x6: {  	[smem:$0x7FF] =	sst s7;
	s4 =	sadd.s32 $0x200, s0;
	s3 =	sadd.s32 $0x13C00, s0  }
0x7: {  	s16 =	sadd.s32 $0x1DC00, s0;
	s8 =	sadd.s32 $0x3BC00, s0;
	s9 =	sadd.s32 $0x27C00, s0  }
0x8: {  	s10 =	sadd.s32 $0x31C00, s0;
	s5 =	smul.u32 $0x27000, s14;
	s11 =	sadd.s32 $0x45C00, s0  }
0x9: {  	s0 =	sadd.s32 $0x4FC00, s0;
	s13 =	smul.u32 $0x1380, s14;
	s19 =	sadd.s32 $0x9C000, s2  }
0xa: {  	p1 =	sne.s32 s14, $0xF;
	_ =	strace $0x80000047;
	[dreg:$0x5] =	wrdreg s3  }
0xb: {  	[dreg:$0x6] =	wrdreg s16;
	s3 =	sand.u32 $0x1, s17;
	s16 =	simm.s32 $0x580  }
0xc: {  	[dreg:$0xc] =	wrdreg s19;
	s6 =	ssub.s32 $0x2, s3;
	s18 =	smul.u32 $0x13880, s3  }
0xd: {  	s5 =	sshrl.u32 s5, $0x2;
	s22 =	smul.u32 $0x9C400, s3;
	s12 =	sshrl.u32 s6, $0x1  }
0xe: {  	p0 =	seq.s32 s3, $0x1;
	s17 =	sadd.s32 s5, s2;
	s6 =	ssub.s32 s6, s12  }
0xf: {  	s20 =	sadd.s32 $0x2000, s17;
	s21 =	sadd.s32 $0x4000, s17;
	[dreg:$0x7] =	wrdreg s17  }
0x10: {  	s15 =	sadd.s32 $0x6000, s17;
	s23 =	sadd.s32 $0x8000, s17;
	[dreg:$0x8] =	wrdreg s20  }
0x11: {  	s24 =	sadd.s32 s13, s18;
	s25 =	sshrl.u32 s22, $0x3;
	[dreg:$0x9] =	wrdreg s21  }
0x12: {  	s18 =	smul.u32 $0x5000, s14;
	s22 =	simm.s32 $0xC00;
	[dreg:$0xa] =	wrdreg s15  }
0x13: {  	s13 =	simm.s32 $0x1;
	s14 =	simm.s32 $0x480;
	[dreg:$0xb] =	wrdreg s23  }
.Ltmp0:
0x14: {  	s3 =	sadd.s32 s0, s24;
	s0 =	sadd.s32 s0, s25;
	(pc) =	sbr.rel .LBB2_1-.Ltmp0, $4  }
0x15: {  	s26 =	smax.u32 s6, $0x1;
	s23 =	simm.s32 $0x3;
	s24 =	simm.s32 $0x400  }
0x16: {  	s25 =	simm.s32 $0x800;
	s6 =	simm.s32 $0x6C00;
	[dreg:$0xd] =	wrdreg s3  }
0x17: {  	s15 =	simm.s32 $0x500;
	s0 =	sadd.s32 $0x13800, s0;
	[dreg:$0xf] =	wrdreg s26  }
0x18: {  	v0 =	vimm.f32 $0.0e+00;
	s26 =	simm.s32 $0x2;
	[dreg:$0xe] =	wrdreg s0;
	s0 =	simm.s32 $0x180  }
.LBB2_10:
0x19: {  	s3 =	stileid.u32;
	[bflag:$0x0] =	sbarrier.arrive $0xFFFF  }
0x1a: {  	s3 =	sshll.u32 s3, $0x6;
	s17 =	rddreg [dreg:$0x7]  }
0x1b: {  	s7 =	rddreg [dreg:$0xd];
	s3 =	sor.u32 $0x1C03, s3;
	s5 =	sshrl.u32 s17, $0x3  }
0x1c: {  	[hbm:s7], [sflag:s3] =	dma.local [spmem:s5], $0x1380  }
0x1d: {  	_ =	swait.ge [sflag:s23], $0x1380  }
0x1e: {  	[sflag:s23] =	ssyncset.done $0x0;
	s19 =	rddreg [dreg:$0xc]  }
0x1f: {  	s7 =	rddreg [dreg:$0xe];
	[sflag:s23] =	ssyncadd.s32 $0xFFFFEC80;
	s5 =	sshrl.u32 @!p1 s19, $0x3  }
0x20: {  	[hbm:s7], [sflag:s3] =	dma.local @!p1 [spmem:s5], $0x80  }
0x21: {  	s3 =	simm.s32 @!p1 $0x3  }
0x22: {  	_ =	swait.ge @!p1 [sflag:s3], $0x80  }
0x23: {  	s20 =	rddreg [dreg:$0x4]  }
0x24: {  	s21 =	rddreg [dreg:$0xf];
	s7 =	sadd.s32 $0x1, s20  }
0x25: {  	p2 =	sne.s32 s7, s21  }
.Ltmp1:
0x26: {  	_ = 	snop;
	(pc) =	sbr.rel @!p2 .LBB2_11-.Ltmp1, $3  }
0x27: {  	_ =	sdelay $0x1  }
0x28: {  	[sflag:s3] =	ssyncset.done @!p1 $0x0  }
0x29: {  	[sflag:s3] =	ssyncadd.s32 @!p1 $0xFFFFFF80  }
.LBB2_1:
0x2a: {  	[dreg:$0x4] =	wrdreg s7;
	s12 =	simm.s32 $0x100;
	s3 =	simm.s32 $0x0  }
.LBB2_2:
0x2b: {  	p2 =	sne.s32 s12, $0x7F00;
	[tilespmem:s3+$0xC30] =	vst v0;
	s5 =	smov.u32 s12;
	s12 =	sadd.s32 $0x100, s12  }
.Ltmp2:
0x2c: {  	[tilespmem:s3+$0xC20] =	vst v0;
	(pc) =	sbr.rel @p2 .LBB2_2-.Ltmp2, $3  }
0x2d: {  	[tilespmem:s3+$0xC00] =	vst v0  }
0x2e: {  	[tilespmem:s3+$0xC10] =	vst v0;
	_ =	sdelay $0x1  }
0x2f: {  	s3 =	sshra.s32 s5, $0x2  }
0x30: {  	[tilespmem:s3+$0xC30] =	vst v0  }
0x31: {  	[tilespmem:s3+$0xC20] =	vst v0  }
0x32: {  	[tilespmem:s3+$0xC00] =	vst v0  }
0x33: {  	[tilespmem:s3+$0xC10] =	vst v0  }
0x34: {  	[spmem:s17] =	stream.linear.scatter [tilespmem:s22], [sflag:$0x3], $0x2000, $0x38;
	[tilespmem:$0x12840] =	vst v63  }
0x35: {  	_ =	swait.ge [sflag:s23], $0x2000  }
0x36: {  	[sflag:s23] =	ssyncset.done $0x0  }
0x37: {  	s12 =	rddreg [dreg:$0x8];
	[sflag:s23] =	ssyncadd.s32 $0xFFFFE000  }
0x38: {  	[spmem:s12] =	stream.linear.scatter [tilespmem:s22], [sflag:$0x3], $0x2000, $0x38;
	[tilespmem:$0x12840] =	vst v63  }
0x39: {  	_ =	swait.ge [sflag:s23], $0x2000  }
0x3a: {  	[sflag:s23] =	ssyncset.done $0x0  }
0x3b: {  	s17 =	rddreg [dreg:$0x9];
	[sflag:s23] =	ssyncadd.s32 $0xFFFFE000  }
0x3c: {  	[spmem:s17] =	stream.linear.scatter [tilespmem:s22], [sflag:$0x3], $0x2000, $0x38;
	[tilespmem:$0x12840] =	vst v63  }
0x3d: {  	_ =	swait.ge [sflag:s23], $0x2000  }
0x3e: {  	[sflag:s23] =	ssyncset.done $0x0  }
0x3f: {  	s20 =	rddreg [dreg:$0xa];
	[sflag:s23] =	ssyncadd.s32 $0xFFFFE000  }
0x40: {  	[spmem:s20] =	stream.linear.scatter [tilespmem:s22], [sflag:$0x3], $0x2000, $0x38;
	[tilespmem:$0x12840] =	vst v63  }
0x41: {  	_ =	swait.ge [sflag:s23], $0x2000  }
0x42: {  	[sflag:s23] =	ssyncset.done $0x0  }
0x43: {  	s21 =	rddreg [dreg:$0xb];
	[sflag:s23] =	ssyncadd.s32 $0xFFFFE000  }
0x44: {  	[spmem:s21] =	stream.linear.scatter [tilespmem:s22], [sflag:$0x3], $0x1C00, $0x38;
	[tilespmem:$0x12840] =	vst v63  }
0x45: {  	_ =	swait.ge [sflag:s23], $0x1C00  }
0x46: {  	[sflag:s23] =	ssyncset.done $0x0  }
0x47: {  	s3 =	simm.s32 @!p1 $0xC00;
	[sflag:s23] =	ssyncadd.s32 $0xFFFFE400  }
0x48: {  	[spmem:s19] =	stream.linear.scatter @!p1 [tilespmem:s3], [sflag:$0x3], $0x400, $0x38;
	[tilespmem:$0x12840] =	vst v63  }
0x49: {  	s3 =	simm.s32 @!p1 $0x3  }
.Ltmp3:
0x4a: {  	_ =	swait.ge @!p1 [sflag:s3], $0x400;
	(pc) =	sbr.rel @!p0 .LBB2_4-.Ltmp3, $4  }
0x4b: {  	[sflag:s3] =	ssyncset.done @!p1 $0x0  }
0x4c: {  	[sflag:s3] =	ssyncadd.s32 @!p1 $0xFFFFFC00  }
0x4d: {  	[bflag:$0x0] =	sbarrier.arrive $0xFFFF  }
0x4e: {  	s20 =	simm.s32 $0x0;
	s21 =	simm.s32 $0x0;
	s19 =	simm.s32 $0x0  }
.LBB2_7:
0x4f: {  	s3 =	sshll.u32 s21, $0x9  }
0x50: {  	s3 =	sadd.s32 s18, s3  }
0x51: {  	s3 =	sshrl.u32 s3, $0x3  }
0x52: {  	s5 =	sadd.s32 s9, s3  }
0x53: {  	[tilespmem:s19], [sflag:$0x2] =	stream.linear.gather [hbm4b:s5+s19], $0x200, $0x38;
	[tilespmem:$0x12840] =	vst v63  }
0x54: {  	s7 =	sadd.s32 s10, s3  }
0x55: {  	[tilespmem:s24], [sflag:$0x2] =	stream.linear.gather [hbm4b:s7+s19], $0x200, $0x38;
	[tilespmem:$0x12840] =	vst v63  }
0x56: {  	s3 =	sadd.s32 s11, s3  }
0x57: {  	[tilespmem:s25], [sflag:$0x2] =	stream.linear.gather [hbm4b:s3+s19], $0x200, $0x38;
	[tilespmem:$0x12840] =	vst v63  }
0x58: {  	_ =	swait.ge [sflag:s26], $0x200  }
0x59: {  	[sflag:s26] =	ssyncset.done $0x0  }
0x5a: {  	[sflag:s26] =	ssyncadd.s32 $0xFFFFFE00  }
0x5b: {  	_ =	swait.ge [sflag:s26], $0x200  }
0x5c: {  	[sflag:s26] =	ssyncset.done $0x0  }
0x5d: {  	[sflag:s26] =	ssyncadd.s32 $0xFFFFFE00  }
0x5e: {  	_ =	swait.ge [sflag:s26], $0x200  }
0x5f: {  	[sflag:s26] =	ssyncset.done $0x0  }
0x60: {  	[sflag:s26] =	ssyncadd.s32 $0xFFFFFE00  }
0x61: {  	[tilespmem:s22], [sflag:$0x1] =	stream.indirect.gather [hbm4b:s4+s28], $0x40, s19, s28, $0xb8;
	[tilespmem:$0x12840] =	vst v63  }
0x62: {  	_ = 	snop  }
0x63: {  	[tilespmem:s29], [sflag:$0x1] =	stream.indirect.gather [hbm4b:s4+s28], $0x40, s28, s28, $0xb8;
	[tilespmem:$0x12840] =	vst v63  }
0x64: {  	_ = 	snop  }
0x65: {  	[tilespmem:s31], [sflag:$0x1] =	stream.indirect.gather [hbm4b:s4+s28], $0x40, s30, s28, $0xb8;
	[tilespmem:$0x12840] =	vst v63  }
0x66: {  	_ = 	snop  }
0x67: {  	[tilespmem:s6], [sflag:$0x1] =	stream.indirect.gather [hbm4b:s4+s28], $0x40, s0, s28, $0xb8;
	[tilespmem:$0x12840] =	vst v63  }
0x68: {  	_ =	swait.ge [sflag:s13], $0x2000  }
0x69: {  	[sflag:s13] =	ssyncset.done $0x0  }
0x6a: {  	s12 =	simm.s32 $0x3;
	[sflag:s13] =	ssyncadd.s32 $0xFFFFE000  }
0x6b: {  	v1 =	vmov s12;
	_ =	swait.ge [sflag:s13], $0x2000  }
0x6c: {  	s17 =	simm.s32 $0x1;
	s20 =	sand.u32 $0xFFFFFF80, s19;
	v1 =	vand.u32 $0x7F, v1;
	[sflag:s13] =	ssyncset.done $0x0  }
0x6d: {  	v2 =	vmov s17;
	v1 =	vor.u32 s20, v1;
	s7 =	simm.s32 $0x2;
	[sflag:s13] =	ssyncadd.s32 $0xFFFFE000  }
0x6e: {  	v2 =	vand.u32 $0x7D, v2;
	v1 =	vbroadcast v1, $0x0;
	v3 =	vmov s7;
	_ =	swait.ge [sflag:s13], $0x2000  }
0x6f: {  	v4 =	vmov s19;
	v2 =	vor.u32 s20, v2;
	v3 =	vand.u32 $0x7E, v3;
	[sflag:s13] =	ssyncset.done $0x0  }
0x70: {  	v4 =	vand.u32 $0x7C, v4;
	v2 =	vbroadcast v2, $0x0;
	v3 =	vor.u32 s20, v3;
	[sflag:s13] =	ssyncadd.s32 $0xFFFFE000  }
0x71: {  	v4 =	vor.u32 s20, v4;
	v3 =	vbroadcast v3, $0x0;
	_ =	swait.ge [sflag:s13], $0x2000  }
0x72: {  	v5 =	vbroadcast v4, $0x0;
	[sflag:s13] =	ssyncset.done $0x0  }
0x73: {  	[sflag:s13] =	ssyncadd.s32 $0xFFFFE000  }
0x74: {  	s17 =	simm.s32 $0xC80;
	v1 =	vld.idx.msk [tilespmem:v1+s25+$0x0], $0xffff  }
0x75: {  	v6 =	vld [tilespmem:s17+$0x70]  }
0x76: {  	v4 =	vld.idx.msk [tilespmem:v2+s25+$0x0], $0xffff  }
0x77: {  	v2 =	vld.idx.msk [tilespmem:v3+s25+$0x0], $0xffff  }
0x78: {  	v3 =	vld.idx.msk [tilespmem:v5+s25+$0x0], $0xffff  }
0x79: {  	v9 =	vld [tilespmem:s17+$0xFFFFFF80];
	_ =	sdelay $0x1  }
0x7a: {  	v10 =	vld [tilespmem:s17+$0xFFFFFF90]  }
0x7b: {  	v8 =	vld [tilespmem:s17+$0xFFFFFFA0]  }
0x7c: {  	s12 =	simm.s32 $0x4;
	v5 =	vld [tilespmem:s17+$0xFFFFFFB0];
	v11 =	vmul.f32 v6, v1  }
0x7d: {  	s7 =	simm.s32 $0x5;
	s20 =	simm.s32 $0x6;
	v6 =	vmov s12;
	v12 =	vmul.f32 v9, v3;
	v9 =	vld [tilespmem:s17+$0xFFFFFFD0]  }
0x7e: {  	s5 =	simm.s32 $0x7;
	v13 =	vmov s7;
	s3 =	simm.s32 $0x8;
	v7 =	vand.u32 $0x7C, v6;
	v6 =	vld [tilespmem:s17+$0xFFFFFFC0];
	[tilespmem:s17+$0x70] =	vst v11;
	v11 =	vmov s20;
	s20 =	simm.s32 $0xC80  }
.LBB2_8:
0x7f: {  	p2 =	slt.u32 s3, $0x1FC;
	v13 =	vand.u32 $0x7D, v13;
	v14 =	vmov s5;
	v10 =	vmul.f32 v10, v3;
	v15 =	vld [tilespmem:s17+$0xFFFFFFE0]  }
0x80: {  	s5 =	sand.u32 $0xFFFFFF80, s12;
	v11 =	vand.u32 $0x7E, v11;
	s12 =	smov.u32 s3;
	v14 =	vand.u32 $0x7F, v14;
	[tilespmem:s17+$0xFFFFFF80] =	vst v12;
	v8 =	vmul.f32 v8, v3;
	v12 =	vld [tilespmem:s17+$0xFFFFFFF0]  }
0x81: {  	v13 =	vor.u32 s5, v13;
	v11 =	vor.u32 s5, v11;
	v14 =	vor.u32 s5, v14;
	[tilespmem:s17+$0xFFFFFF90] =	vst v10;
	v10 =	vld [tilespmem:s17+$0x0]  }
0x82: {  	v7 =	vor.u32 s5, v7;
	v13 =	vbroadcast v13, $0x0;
	v14 =	vbroadcast v14, $0x0;
	[tilespmem:s17+$0xFFFFFFA0] =	vst v8;
	v8 =	vld [tilespmem:s17+$0x10]  }
0x83: {  	v7 =	vbroadcast v7, $0x0;
	v11 =	vbroadcast v11, $0x0;
	v16 =	vld [tilespmem:s17+$0x20]  }
0x84: {  	v6 =	vmul.f32 v6, v4;
	v9 =	vmul.f32 v9, v4;
	v17 =	vld [tilespmem:s17+$0x30]  }
0x85: {  	v15 =	vmul.f32 v15, v4;
	v4 =	vmul.f32 v12, v4;
	v12 =	vld [tilespmem:s17+$0x40]  }
0x86: {  	v18 =	vmul.f32 v5, v3;
	[tilespmem:s17+$0xFFFFFFC0] =	vst v6;
	v3 =	vmul.f32 v10, v2;
	v5 =	vld [tilespmem:s17+$0x50]  }
0x87: {  	[tilespmem:s17+$0xFFFFFFD0] =	vst v9;
	v6 =	vmul.f32 v8, v2;
	v8 =	vld [tilespmem:s17+$0x60]  }
0x88: {  	s17 =	sadd.s32 $0x100, s17;
	v9 =	vld.idx.msk [tilespmem:v14+s25+$0x0], $0xffff;
	[tilespmem:s20+$0xFFFFFFE0] =	vst v15;
	v10 =	vmul.f32 v16, v2  }
0x89: {  	v14 =	vld [tilespmem:s17+$0x70];
	[tilespmem:s20+$0xFFFFFFF0] =	vst v4;
	v15 =	vmul.f32 v17, v2  }
0x8a: {  	v4 =	vld.idx.msk [tilespmem:v13+s25+$0x0], $0xffff;
	[tilespmem:s20+$0x0] =	vst v3;
	v12 =	vmul.f32 v12, v1  }
0x8b: {  	v2 =	vld.idx.msk [tilespmem:v11+s25+$0x0], $0xffff;
	[tilespmem:s20+$0x10] =	vst v6;
	v5 =	vmul.f32 v5, v1  }
0x8c: {  	v3 =	vld.idx.msk [tilespmem:v7+s25+$0x0], $0xffff;
	[tilespmem:s20+$0x20] =	vst v10;
	v11 =	vmul.f32 v8, v1  }
0x8d: {  	v16 =	vld [tilespmem:s17+$0xFFFFFF80];
	[tilespmem:s20+$0x30] =	vst v15  }
.Ltmp4:
0x8e: {  	v1 =	vmov v9;
	v10 =	vld [tilespmem:s17+$0xFFFFFF90];
	v6 =	vmul.f32 v14, v9;
	[tilespmem:s20+$0x40] =	vst v12;
	(pc) =	sbr.rel @p2 .LBB2_8-.Ltmp4, $4  }
0x8f: {  	v8 =	vld [tilespmem:s17+$0xFFFFFFA0];
	[tilespmem:s20+$0x50] =	vst v5  }
0x90: {  	v7 =	vmov s3;
	v5 =	vld [tilespmem:s17+$0xFFFFFFB0];
	[tilespmem:s17+$0x70] =	vst v6  }
0x91: {  	s7 =	sadd.s32 $0x2, s3;
	s5 =	sadd.s32 $0x1, s3;
	v7 =	vand.u32 $0x7C, v7;
	v6 =	vld [tilespmem:s17+$0xFFFFFFC0];
	[tilespmem:s20+$0x60] =	vst v11  }
0x92: {  	v13 =	vmov s5;
	s5 =	sadd.s32 $0x3, s12;
	s3 =	sadd.s32 $0x4, s3;
	v11 =	vmov s7;
	v12 =	vmul.f32 v16, v3;
	v9 =	vld [tilespmem:s17+$0xFFFFFFD0];
	[tilespmem:s20+$0xFFFFFFB0] =	vst v18;
	s20 =	smov.u32 s17  }
0x93: {  	v15 =	vld [tilespmem:s17+$0xFFFFFFE0]  }
0x94: {  	v17 =	vld [tilespmem:s17+$0x0]  }
0x95: {  	v18 =	vld [tilespmem:s17+$0x10]  }
0x96: {  	v10 =	vmul.f32 v10, v3;
	v19 =	vld [tilespmem:s17+$0x20]  }
0x97: {  	s3 =	sand.u32 $0xFFFFFF80, s12;
	v13 =	vand.u32 $0x7D, v13;
	v37 =	vld [tilespmem:s17+$0x30];
	[tilespmem:s17+$0xFFFFFF80] =	vst v12;
	v8 =	vmul.f32 v8, v3  }
0x98: {  	v16 =	vld [tilespmem:s17+$0xFFFFFFF0];
	v13 =	vor.u32 s3, v13;
	[tilespmem:s17+$0xFFFFFF90] =	vst v10;
	v6 =	vmul.f32 v6, v4  }
0x99: {  	v39 =	vld [tilespmem:s17+$0x40];
	v7 =	vor.u32 s3, v7;
	v36 =	vbroadcast v13, $0x0;
	[tilespmem:s17+$0xFFFFFFA0] =	vst v8;
	v40 =	vmul.f32 v9, v4  }
0x9a: {  	v41 =	vld [tilespmem:s17+$0x50];
	v7 =	vbroadcast v7, $0x0;
	v3 =	vmul.f32 v5, v3;
	[tilespmem:s17+$0xFFFFFFC0] =	vst v6  }
0x9b: {  	v42 =	vld [tilespmem:s17+$0x60];
	v45 =	vmul.f32 v17, v2;
	v47 =	vmul.f32 v18, v2;
	[tilespmem:s17+$0xFFFFFFD0] =	vst v40;
	s17 =	sadd.s32 $0x100, s17  }
0x9c: {  	v49 =	vmul.f32 v19, v2;
	v2 =	vmul.f32 v37, v2;
	v46 =	vld [tilespmem:s17+$0x70]  }
0x9d: {  	[tilespmem:s20+$0xFFFFFFB0] =	vst v3;
	v15 =	vmul.f32 v15, v4;
	v50 =	vld [tilespmem:s17+$0xFFFFFF80]  }
0x9e: {  	v43 =	vmul.f32 v16, v4;
	[tilespmem:s20+$0x30] =	vst v2;
	v2 =	vld [tilespmem:s17+$0xFFFFFF90]  }
0x9f: {  	v14 =	vmov s5;
	v11 =	vand.u32 $0x7E, v11;
	[tilespmem:s20+$0xFFFFFFE0] =	vst v15;
	v52 =	vld [tilespmem:s17+$0xFFFFFFA0]  }
0xa0: {  	v14 =	vand.u32 $0x7F, v14;
	v11 =	vor.u32 s3, v11;
	[tilespmem:s20+$0xFFFFFFF0] =	vst v43;
	v7 =	vld.idx.msk [tilespmem:v7+s25+$0x0], $0xffff  }
0xa1: {  	v14 =	vor.u32 s3, v14;
	v38 =	vbroadcast v11, $0x0;
	[tilespmem:s20+$0x0] =	vst v45;
	v53 =	vld [tilespmem:s17+$0xFFFFFFC0]  }
0xa2: {  	v14 =	vbroadcast v14, $0x0;
	v11 =	vmul.f32 v39, v1;
	[tilespmem:s20+$0x10] =	vst v47;
	v48 =	vld.idx.msk [tilespmem:v36+s25+$0x0], $0xffff  }
0xa3: {  	v9 =	vmul.f32 v41, v1;
	v1 =	vmul.f32 v42, v1;
	[tilespmem:s20+$0x20] =	vst v49;
	v54 =	vld [tilespmem:s17+$0xFFFFFFD0]  }
0xa4: {  	[tilespmem:s20+$0x40] =	vst v11;
	v55 =	vld [tilespmem:s17+$0xFFFFFFE0]  }
0xa5: {  	[tilespmem:s20+$0x60] =	vst v1;
	v3 =	vld [tilespmem:s17+$0xFFFFFFF0];
	v1 =	vmul.f32 v50, v7  }
0xa6: {  	[tilespmem:s20+$0x50] =	vst v9;
	v56 =	vld [tilespmem:s17+$0x0];
	v2 =	vmul.f32 v2, v7  }
0xa7: {  	v10 =	vld.idx.msk [tilespmem:v38+s25+$0x0], $0xffff;
	v6 =	vmul.f32 v53, v48;
	[tilespmem:s17+$0xFFFFFF80] =	vst v1  }
0xa8: {  	v57 =	vld [tilespmem:s17+$0x30];
	v5 =	vmul.f32 v54, v48;
	[tilespmem:s17+$0xFFFFFF90] =	vst v2  }
0xa9: {  	v44 =	vld.idx.msk [tilespmem:v14+s25+$0x0], $0xffff;
	v9 =	vmul.f32 v55, v48;
	[tilespmem:s17+$0xFFFFFFC0] =	vst v6  }
0xaa: {  	v61 =	vld [tilespmem:s17+$0x60];
	v1 =	vmul.f32 v52, v7;
	[tilespmem:s17+$0xFFFFFFD0] =	vst v5  }
0xab: {  	v3 =	vmul.f32 v3, v48;
	v2 =	vld [tilespmem:s17+$0x10];
	[tilespmem:s17+$0xFFFFFFE0] =	vst v9  }
0xac: {  	v59 =	vmul.f32 v56, v10;
	[tilespmem:s17+$0xFFFFFFA0] =	vst v1;
	v1 =	vld [tilespmem:s17+$0x20]  }
0xad: {  	v58 =	vld [tilespmem:s17+$0x40];
	v62 =	vmul.f32 v57, v10;
	[tilespmem:s17+$0xFFFFFFF0] =	vst v3  }
0xae: {  	v60 =	vld [tilespmem:s17+$0x50];
	v51 =	vmul.f32 v46, v44;
	[tilespmem:s17+$0x0] =	vst v59  }
0xaf: {  	v63 =	vmul.f32 v61, v44;
	v3 =	vld [tilespmem:s17+$0xFFFFFFB0];
	[tilespmem:s17+$0x30] =	vst v62  }
0xb0: {  	[tilespmem:s17+$0x70] =	vst v51;
	v2 =	vmul.f32 v2, v10  }
0xb1: {  	[tilespmem:s17+$0x60] =	vst v63;
	v1 =	vmul.f32 v1, v10  }
0xb2: {  	[tilespmem:s17+$0x10] =	vst v2;
	v2 =	vmul.f32 v58, v44  }
0xb3: {  	[tilespmem:s17+$0x20] =	vst v1;
	v1 =	vmul.f32 v60, v44  }
0xb4: {  	[tilespmem:s17+$0x40] =	vst v2;
	v2 =	vmul.f32 v3, v7  }
0xb5: {  	[tilespmem:s17+$0x50] =	vst v1  }
0xb6: {  	[tilespmem:s17+$0xFFFFFFB0] =	vst v2  }
0xb7: {  	[spmem:s2] =	stream.indirect.scatter.add.f32 [tilespmem:s22], [sflag:$0x3], $0x40, s24, s28, $0xb8;
	[tilespmem:$0x12840] =	vst v63  }
0xb8: {  	_ =	swait.ge [sflag:s23], $0x2000  }
0xb9: {  	[sflag:s23] =	ssyncset.done $0x0  }
0xba: {  	[sflag:s23] =	ssyncadd.s32 $0xFFFFE000  }
0xbb: {  	[spmem:s2] =	stream.indirect.scatter.add.f32 [tilespmem:s29], [sflag:$0x3], $0x40, s14, s28, $0xb8;
	[tilespmem:$0x12840] =	vst v63  }
0xbc: {  	_ =	swait.ge [sflag:s23], $0x2000  }
0xbd: {  	[sflag:s23] =	ssyncset.done $0x0  }
0xbe: {  	[sflag:s23] =	ssyncadd.s32 $0xFFFFE000  }
0xbf: {  	[spmem:s2] =	stream.indirect.scatter.add.f32 [tilespmem:s31], [sflag:$0x3], $0x40, s15, s28, $0xb8;
	[tilespmem:$0x12840] =	vst v63  }
0xc0: {  	_ =	swait.ge [sflag:s23], $0x2000  }
0xc1: {  	s21 =	sadd.s32 $0x1, s21;
	[sflag:s23] =	ssyncset.done $0x0  }
0xc2: {  	p2 =	sne.s32 s21, $0x28;
	[sflag:s23] =	ssyncadd.s32 $0xFFFFE000  }
0xc3: {  	[spmem:s2] =	stream.indirect.scatter.add.f32 [tilespmem:s6], [sflag:$0x3], $0x40, s16, s28, $0xb8;
	[tilespmem:$0x12840] =	vst v63  }
.Ltmp5:
0xc4: {  	_ = 	snop;
	(pc) =	sbr.rel @p2 .LBB2_7-.Ltmp5, $4  }
.Ltmp6:
0xc5: {  	_ = 	snop;
	(pc) =	sbr.rel @!p2 .LBB2_10-.Ltmp6, $4  }
0xc6: {  	_ =	swait.ge [sflag:s23], $0x2000  }
0xc7: {  	[sflag:s23] =	ssyncset.done $0x0  }
0xc8: {  	[sflag:s23] =	ssyncadd.s32 $0xFFFFE000  }
0xc9: {  	_ = 	snop  }
.LBB2_4:
0xca: {  	s3 =	sshll.u32 s20, $0x9  }
0xcb: {  	s3 =	sadd.s32 s18, s3  }
0xcc: {  	s5 =	rddreg [dreg:$0x5];
	s3 =	sshrl.u32 s3, $0x3  }
0xcd: {  	s7 =	rddreg [dreg:$0x6];
	s5 =	sadd.s32 s5, s3  }
0xce: {  	[tilespmem:s19], [sflag:$0x2] =	stream.linear.gather [hbm4b:s5+s19], $0x200, $0x38;
	[tilespmem:$0x12840] =	vst v63  }
0xcf: {  	s5 =	sadd.s32 s7, s3  }
0xd0: {  	[tilespmem:s24], [sflag:$0x2] =	stream.linear.gather [hbm4b:s5+s19], $0x200, $0x38;
	[tilespmem:$0x12840] =	vst v63  }
0xd1: {  	s3 =	sadd.s32 s8, s3  }
0xd2: {  	[tilespmem:s25], [sflag:$0x2] =	stream.linear.gather [hbm4b:s3+s19], $0x200, $0x38;
	[tilespmem:$0x12840] =	vst v63  }
0xd3: {  	_ =	swait.ge [sflag:s26], $0x200  }
0xd4: {  	[sflag:s26] =	ssyncset.done $0x0  }
0xd5: {  	[sflag:s26] =	ssyncadd.s32 $0xFFFFFE00  }
0xd6: {  	_ =	swait.ge [sflag:s26], $0x200  }
0xd7: {  	[sflag:s26] =	ssyncset.done $0x0  }
0xd8: {  	[sflag:s26] =	ssyncadd.s32 $0xFFFFFE00  }
0xd9: {  	_ =	swait.ge [sflag:s26], $0x200  }
0xda: {  	[sflag:s26] =	ssyncset.done $0x0  }
0xdb: {  	[sflag:s26] =	ssyncadd.s32 $0xFFFFFE00  }
0xdc: {  	[tilespmem:s22], [sflag:$0x1] =	stream.indirect.gather [hbm4b:s1+s28], $0x40, s19, s28, $0xb8;
	[tilespmem:$0x12840] =	vst v63  }
0xdd: {  	_ = 	snop  }
0xde: {  	[tilespmem:s29], [sflag:$0x1] =	stream.indirect.gather [hbm4b:s1+s28], $0x40, s28, s28, $0xb8;
	[tilespmem:$0x12840] =	vst v63  }
0xdf: {  	_ = 	snop  }
0xe0: {  	[tilespmem:s31], [sflag:$0x1] =	stream.indirect.gather [hbm4b:s1+s28], $0x40, s30, s28, $0xb8;
	[tilespmem:$0x12840] =	vst v63  }
0xe1: {  	_ = 	snop  }
0xe2: {  	[tilespmem:s6], [sflag:$0x1] =	stream.indirect.gather [hbm4b:s1+s28], $0x40, s0, s28, $0xb8;
	[tilespmem:$0x12840] =	vst v63  }
0xe3: {  	_ =	swait.ge [sflag:s13], $0x2000  }
0xe4: {  	[sflag:s13] =	ssyncset.done $0x0  }
0xe5: {  	s12 =	simm.s32 $0x3;
	[sflag:s13] =	ssyncadd.s32 $0xFFFFE000  }
0xe6: {  	v1 =	vmov s12;
	_ =	swait.ge [sflag:s13], $0x2000  }
0xe7: {  	s17 =	simm.s32 $0x1;
	s21 =	sand.u32 $0xFFFFFF80, s19;
	v1 =	vand.u32 $0x7F, v1;
	[sflag:s13] =	ssyncset.done $0x0  }
0xe8: {  	s12 =	simm.s32 $0x2;
	v2 =	vmov s17;
	v1 =	vor.u32 s21, v1;
	[sflag:s13] =	ssyncadd.s32 $0xFFFFE000  }
0xe9: {  	v3 =	vmov s12;
	v2 =	vand.u32 $0x7D, v2;
	v1 =	vbroadcast v1, $0x0;
	_ =	swait.ge [sflag:s13], $0x2000  }
0xea: {  	v4 =	vmov s19;
	v3 =	vand.u32 $0x7E, v3;
	v2 =	vor.u32 s21, v2;
	[sflag:s13] =	ssyncset.done $0x0  }
0xeb: {  	v4 =	vand.u32 $0x7C, v4;
	v3 =	vor.u32 s21, v3;
	v2 =	vbroadcast v2, $0x0;
	[sflag:s13] =	ssyncadd.s32 $0xFFFFE000  }
0xec: {  	v4 =	vor.u32 s21, v4;
	v3 =	vbroadcast v3, $0x0;
	_ =	swait.ge [sflag:s13], $0x2000  }
0xed: {  	v5 =	vbroadcast v4, $0x0;
	[sflag:s13] =	ssyncset.done $0x0  }
0xee: {  	[sflag:s13] =	ssyncadd.s32 $0xFFFFE000  }
0xef: {  	s17 =	simm.s32 $0xC80;
	v1 =	vld.idx.msk [tilespmem:v1+s25+$0x0], $0xffff  }
0xf0: {  	v6 =	vld [tilespmem:s17+$0x70]  }
0xf1: {  	v4 =	vld.idx.msk [tilespmem:v2+s25+$0x0], $0xffff  }
0xf2: {  	v2 =	vld.idx.msk [tilespmem:v3+s25+$0x0], $0xffff  }
0xf3: {  	v3 =	vld.idx.msk [tilespmem:v5+s25+$0x0], $0xffff  }
0xf4: {  	v9 =	vld [tilespmem:s17+$0xFFFFFF80];
	_ =	sdelay $0x1  }
0xf5: {  	v10 =	vld [tilespmem:s17+$0xFFFFFF90]  }
0xf6: {  	v8 =	vld [tilespmem:s17+$0xFFFFFFA0]  }
0xf7: {  	s12 =	simm.s32 $0x4;
	v5 =	vld [tilespmem:s17+$0xFFFFFFB0];
	v11 =	vmul.f32 v6, v1  }
0xf8: {  	s7 =	simm.s32 $0x5;
	s21 =	simm.s32 $0x6;
	v6 =	vmov s12;
	v12 =	vmul.f32 v9, v3;
	v9 =	vld [tilespmem:s17+$0xFFFFFFD0]  }
0xf9: {  	v13 =	vmov s7;
	s5 =	simm.s32 $0x7;
	s3 =	simm.s32 $0x8;
	v7 =	vand.u32 $0x7C, v6;
	v6 =	vld [tilespmem:s17+$0xFFFFFFC0];
	[tilespmem:s17+$0x70] =	vst v11;
	v11 =	vmov s21;
	s21 =	simm.s32 $0xC80  }
.LBB2_5:
0xfa: {  	p2 =	slt.u32 s3, $0x1FC;
	v13 =	vand.u32 $0x7D, v13;
	v14 =	vmov s5;
	v10 =	vmul.f32 v10, v3;
	v15 =	vld [tilespmem:s17+$0xFFFFFFE0]  }
0xfb: {  	s5 =	sand.u32 $0xFFFFFF80, s12;
	v11 =	vand.u32 $0x7E, v11;
	s12 =	smov.u32 s3;
	v14 =	vand.u32 $0x7F, v14;
	[tilespmem:s17+$0xFFFFFF80] =	vst v12;
	v8 =	vmul.f32 v8, v3;
	v12 =	vld [tilespmem:s17+$0xFFFFFFF0]  }
0xfc: {  	v13 =	vor.u32 s5, v13;
	v11 =	vor.u32 s5, v11;
	v14 =	vor.u32 s5, v14;
	[tilespmem:s17+$0xFFFFFF90] =	vst v10;
	v10 =	vld [tilespmem:s17+$0x0]  }
0xfd: {  	v7 =	vor.u32 s5, v7;
	v13 =	vbroadcast v13, $0x0;
	v14 =	vbroadcast v14, $0x0;
	[tilespmem:s17+$0xFFFFFFA0] =	vst v8;
	v8 =	vld [tilespmem:s17+$0x10]  }
0xfe: {  	v7 =	vbroadcast v7, $0x0;
	v11 =	vbroadcast v11, $0x0;
	v16 =	vld [tilespmem:s17+$0x20]  }
0xff: {  	v6 =	vmul.f32 v6, v4;
	v9 =	vmul.f32 v9, v4;
	v17 =	vld [tilespmem:s17+$0x30]  }
0x100: {  	v15 =	vmul.f32 v15, v4;
	v4 =	vmul.f32 v12, v4;
	v12 =	vld [tilespmem:s17+$0x40]  }
0x101: {  	v18 =	vmul.f32 v5, v3;
	[tilespmem:s17+$0xFFFFFFC0] =	vst v6;
	v3 =	vmul.f32 v10, v2;
	v5 =	vld [tilespmem:s17+$0x50]  }
0x102: {  	[tilespmem:s17+$0xFFFFFFD0] =	vst v9;
	v6 =	vmul.f32 v8, v2;
	v8 =	vld [tilespmem:s17+$0x60]  }
0x103: {  	s17 =	sadd.s32 $0x100, s17;
	v9 =	vld.idx.msk [tilespmem:v14+s25+$0x0], $0xffff;
	[tilespmem:s21+$0xFFFFFFE0] =	vst v15;
	v10 =	vmul.f32 v16, v2  }
0x104: {  	v14 =	vld [tilespmem:s17+$0x70];
	[tilespmem:s21+$0xFFFFFFF0] =	vst v4;
	v15 =	vmul.f32 v17, v2  }
0x105: {  	v4 =	vld.idx.msk [tilespmem:v13+s25+$0x0], $0xffff;
	[tilespmem:s21+$0x0] =	vst v3;
	v12 =	vmul.f32 v12, v1  }
0x106: {  	v2 =	vld.idx.msk [tilespmem:v11+s25+$0x0], $0xffff;
	[tilespmem:s21+$0x10] =	vst v6;
	v5 =	vmul.f32 v5, v1  }
0x107: {  	v3 =	vld.idx.msk [tilespmem:v7+s25+$0x0], $0xffff;
	[tilespmem:s21+$0x20] =	vst v10;
	v11 =	vmul.f32 v8, v1  }
0x108: {  	v16 =	vld [tilespmem:s17+$0xFFFFFF80];
	[tilespmem:s21+$0x30] =	vst v15  }
.Ltmp7:
0x109: {  	v1 =	vmov v9;
	v10 =	vld [tilespmem:s17+$0xFFFFFF90];
	v6 =	vmul.f32 v14, v9;
	[tilespmem:s21+$0x40] =	vst v12;
	(pc) =	sbr.rel @p2 .LBB2_5-.Ltmp7, $4  }
0x10a: {  	v8 =	vld [tilespmem:s17+$0xFFFFFFA0];
	[tilespmem:s21+$0x50] =	vst v5  }
0x10b: {  	v7 =	vmov s3;
	v5 =	vld [tilespmem:s17+$0xFFFFFFB0];
	[tilespmem:s17+$0x70] =	vst v6  }
0x10c: {  	s7 =	sadd.s32 $0x2, s3;
	s5 =	sadd.s32 $0x1, s3;
	v7 =	vand.u32 $0x7C, v7;
	v6 =	vld [tilespmem:s17+$0xFFFFFFC0];
	[tilespmem:s21+$0x60] =	vst v11  }
0x10d: {  	v13 =	vmov s5;
	s5 =	sadd.s32 $0x3, s12;
	s3 =	sadd.s32 $0x4, s3;
	v11 =	vmov s7;
	v12 =	vmul.f32 v16, v3;
	v9 =	vld [tilespmem:s17+$0xFFFFFFD0];
	[tilespmem:s21+$0xFFFFFFB0] =	vst v18;
	s21 =	smov.u32 s17  }
0x10e: {  	v15 =	vld [tilespmem:s17+$0xFFFFFFE0]  }
0x10f: {  	v17 =	vld [tilespmem:s17+$0x0]  }
0x110: {  	v18 =	vld [tilespmem:s17+$0x10]  }
0x111: {  	v10 =	vmul.f32 v10, v3;
	v19 =	vld [tilespmem:s17+$0x20]  }
0x112: {  	s3 =	sand.u32 $0xFFFFFF80, s12;
	v13 =	vand.u32 $0x7D, v13;
	v37 =	vld [tilespmem:s17+$0x30];
	[tilespmem:s17+$0xFFFFFF80] =	vst v12;
	v8 =	vmul.f32 v8, v3  }
0x113: {  	v16 =	vld [tilespmem:s17+$0xFFFFFFF0];
	v13 =	vor.u32 s3, v13;
	[tilespmem:s17+$0xFFFFFF90] =	vst v10;
	v6 =	vmul.f32 v6, v4  }
0x114: {  	v39 =	vld [tilespmem:s17+$0x40];
	v7 =	vor.u32 s3, v7;
	v36 =	vbroadcast v13, $0x0;
	[tilespmem:s17+$0xFFFFFFA0] =	vst v8;
	v40 =	vmul.f32 v9, v4  }
0x115: {  	v41 =	vld [tilespmem:s17+$0x50];
	v7 =	vbroadcast v7, $0x0;
	v3 =	vmul.f32 v5, v3;
	[tilespmem:s17+$0xFFFFFFC0] =	vst v6  }
0x116: {  	v42 =	vld [tilespmem:s17+$0x60];
	v45 =	vmul.f32 v17, v2;
	v47 =	vmul.f32 v18, v2;
	[tilespmem:s17+$0xFFFFFFD0] =	vst v40;
	s17 =	sadd.s32 $0x100, s17  }
0x117: {  	v49 =	vmul.f32 v19, v2;
	v2 =	vmul.f32 v37, v2;
	v46 =	vld [tilespmem:s17+$0x70]  }
0x118: {  	[tilespmem:s21+$0xFFFFFFB0] =	vst v3;
	v15 =	vmul.f32 v15, v4;
	v50 =	vld [tilespmem:s17+$0xFFFFFF80]  }
0x119: {  	v43 =	vmul.f32 v16, v4;
	[tilespmem:s21+$0x30] =	vst v2;
	v2 =	vld [tilespmem:s17+$0xFFFFFF90]  }
0x11a: {  	v14 =	vmov s5;
	v11 =	vand.u32 $0x7E, v11;
	[tilespmem:s21+$0xFFFFFFE0] =	vst v15;
	v52 =	vld [tilespmem:s17+$0xFFFFFFA0]  }
0x11b: {  	v14 =	vand.u32 $0x7F, v14;
	v11 =	vor.u32 s3, v11;
	[tilespmem:s21+$0xFFFFFFF0] =	vst v43;
	v7 =	vld.idx.msk [tilespmem:v7+s25+$0x0], $0xffff  }
0x11c: {  	v14 =	vor.u32 s3, v14;
	v38 =	vbroadcast v11, $0x0;
	[tilespmem:s21+$0x0] =	vst v45;
	v53 =	vld [tilespmem:s17+$0xFFFFFFC0]  }
0x11d: {  	v14 =	vbroadcast v14, $0x0;
	v11 =	vmul.f32 v39, v1;
	[tilespmem:s21+$0x10] =	vst v47;
	v48 =	vld.idx.msk [tilespmem:v36+s25+$0x0], $0xffff  }
0x11e: {  	v9 =	vmul.f32 v41, v1;
	v1 =	vmul.f32 v42, v1;
	[tilespmem:s21+$0x20] =	vst v49;
	v54 =	vld [tilespmem:s17+$0xFFFFFFD0]  }
0x11f: {  	[tilespmem:s21+$0x40] =	vst v11;
	v55 =	vld [tilespmem:s17+$0xFFFFFFE0]  }
0x120: {  	[tilespmem:s21+$0x60] =	vst v1;
	v3 =	vld [tilespmem:s17+$0xFFFFFFF0];
	v1 =	vmul.f32 v50, v7  }
0x121: {  	[tilespmem:s21+$0x50] =	vst v9;
	v56 =	vld [tilespmem:s17+$0x0];
	v2 =	vmul.f32 v2, v7  }
0x122: {  	v10 =	vld.idx.msk [tilespmem:v38+s25+$0x0], $0xffff;
	v6 =	vmul.f32 v53, v48;
	[tilespmem:s17+$0xFFFFFF80] =	vst v1  }
0x123: {  	v57 =	vld [tilespmem:s17+$0x30];
	v5 =	vmul.f32 v54, v48;
	[tilespmem:s17+$0xFFFFFF90] =	vst v2  }
0x124: {  	v44 =	vld.idx.msk [tilespmem:v14+s25+$0x0], $0xffff;
	v9 =	vmul.f32 v55, v48;
	[tilespmem:s17+$0xFFFFFFC0] =	vst v6  }
0x125: {  	v61 =	vld [tilespmem:s17+$0x60];
	v1 =	vmul.f32 v52, v7;
	[tilespmem:s17+$0xFFFFFFD0] =	vst v5  }
0x126: {  	v3 =	vmul.f32 v3, v48;
	v2 =	vld [tilespmem:s17+$0x10];
	[tilespmem:s17+$0xFFFFFFE0] =	vst v9  }
0x127: {  	v59 =	vmul.f32 v56, v10;
	[tilespmem:s17+$0xFFFFFFA0] =	vst v1;
	v1 =	vld [tilespmem:s17+$0x20]  }
0x128: {  	v58 =	vld [tilespmem:s17+$0x40];
	v62 =	vmul.f32 v57, v10;
	[tilespmem:s17+$0xFFFFFFF0] =	vst v3  }
0x129: {  	v60 =	vld [tilespmem:s17+$0x50];
	v51 =	vmul.f32 v46, v44;
	[tilespmem:s17+$0x0] =	vst v59  }
0x12a: {  	v63 =	vmul.f32 v61, v44;
	v3 =	vld [tilespmem:s17+$0xFFFFFFB0];
	[tilespmem:s17+$0x30] =	vst v62  }
0x12b: {  	[tilespmem:s17+$0x70] =	vst v51;
	v2 =	vmul.f32 v2, v10  }
0x12c: {  	[tilespmem:s17+$0x60] =	vst v63;
	v1 =	vmul.f32 v1, v10  }
0x12d: {  	[tilespmem:s17+$0x10] =	vst v2;
	v2 =	vmul.f32 v58, v44  }
0x12e: {  	[tilespmem:s17+$0x20] =	vst v1;
	v1 =	vmul.f32 v60, v44  }
0x12f: {  	[tilespmem:s17+$0x40] =	vst v2;
	v2 =	vmul.f32 v3, v7  }
0x130: {  	[tilespmem:s17+$0x50] =	vst v1  }
0x131: {  	[tilespmem:s17+$0xFFFFFFB0] =	vst v2  }
0x132: {  	[spmem:s2] =	stream.indirect.scatter.add.f32 [tilespmem:s22], [sflag:$0x3], $0x40, s24, s28, $0xb8;
	[tilespmem:$0x12840] =	vst v63  }
0x133: {  	_ =	swait.ge [sflag:s23], $0x2000  }
0x134: {  	[sflag:s23] =	ssyncset.done $0x0  }
0x135: {  	[sflag:s23] =	ssyncadd.s32 $0xFFFFE000  }
0x136: {  	[spmem:s2] =	stream.indirect.scatter.add.f32 [tilespmem:s29], [sflag:$0x3], $0x40, s14, s28, $0xb8;
	[tilespmem:$0x12840] =	vst v63  }
0x137: {  	_ =	swait.ge [sflag:s23], $0x2000  }
0x138: {  	[sflag:s23] =	ssyncset.done $0x0  }
0x139: {  	[sflag:s23] =	ssyncadd.s32 $0xFFFFE000  }
0x13a: {  	[spmem:s2] =	stream.indirect.scatter.add.f32 [tilespmem:s31], [sflag:$0x3], $0x40, s15, s28, $0xb8;
	[tilespmem:$0x12840] =	vst v63  }
0x13b: {  	_ =	swait.ge [sflag:s23], $0x2000  }
0x13c: {  	s20 =	sadd.s32 $0x1, s20;
	[sflag:s23] =	ssyncset.done $0x0  }
0x13d: {  	p2 =	seq.s32 s20, $0x28;
	[sflag:s23] =	ssyncadd.s32 $0xFFFFE000  }
0x13e: {  	[spmem:s2] =	stream.indirect.scatter.add.f32 [tilespmem:s6], [sflag:$0x3], $0x40, s16, s28, $0xb8;
	[tilespmem:$0x12840] =	vst v63  }
.Ltmp8:
0x13f: {  	_ = 	snop;
	(pc) =	sbr.rel @!p2 .LBB2_4-.Ltmp8, $4  }
.Ltmp9:
0x140: {  	_ = 	snop;
	(pc) =	sbr.rel @p2 .LBB2_10-.Ltmp9, $4  }
0x141: {  	_ =	swait.ge [sflag:s23], $0x2000  }
0x142: {  	[sflag:s23] =	ssyncset.done $0x0  }
0x143: {  	[sflag:s23] =	ssyncadd.s32 $0xFFFFE000  }
0x144: {  	_ = 	snop  }
.LBB2_11:
0x145: {  	_ =	sfence.sel $0x180000  }
0x146: {  	[bflag:$0x0] =	sbarrier.arrive $0xFFFF  }
0x147: {  	_ =	strace $0x90000047  }
0x148: {  	s0 =	stileid.u32;
	[bflag:$0x2] =	sbarrier.arrive $0xFFFF  }
0x149: {  	p0 =	sne.s32 s0, $0x0;
	s0 =	rddreg [dreg:$0x3]  }
0x14a: {  	s0 =	sadd.s32 @!p0 $0x100000, s0  }
0x14b: {  	[sflag:s0] =	ssyncadd.tile.s32 @!p0 $0x1;
	_ =	shalt  }
.Lfunc_end2:
_tile_overlayer_lowered:
.L_overlay_start_2:
0x14c: {  	(tag) =	ssettag $0x2  }
0x14d: {  	s0 =	rddreg [dreg:$0x0];
	s2 =	stileid.u32  }
0x14e: {  	s1 =	rddreg [dreg:$0x1];
	p0 =	sne.s32 s2, $0x0  }
0x14f: {  	s3 =	rddreg [dreg:$0x2];
	[bflag:$0x3] =	sbarrier.arrive $0xFFFF;
	s2 =	simm.s32 @!p0 $0x1C03  }
0x150: {  	[timem:s3], [sflag:s2] =	dma.local @!p0 [hbm:s0], s1  }
0x151: {  	s0 =	simm.s32 @!p0 $0x3  }
0x152: {  	_ =	swait.ge @!p0 [sflag:s0], s1  }
0x153: {  	s1 =	ssub.s32 @!p0 $0x0, s1;
	[sflag:s0] =	ssyncset.done @!p0 $0x0  }
0x154: {  	[sflag:s0] =	ssyncadd.s32 @!p0 s1  }
0x155: {  	[bflag:$0x3] =	sbarrier.arrive $0xFFFF  }
0x156: {  	_ =	shalt  }

</sc_bundles>
